<compile_context>
chip_gen: v7x
topology: tpu7x:2x2x1
jax: 0.10.2.dev20260603
libtpu: 0.0.44.dev20260713+nightly
codegen_flags: <defaults>
</compile_context>

<pallas_src>
import functools

import jax
import jax.numpy as jnp
from jax import lax
from jax.experimental import pallas as pl
from jax.experimental.pallas import tpu as pltpu
from jax.experimental.pallas import tpu_sc as plsc

B = 4
N = 25000
D = 128
G = 256
TILE = 200
NT = N // TILE
CA, CB = 120, 80
NSUB = 8
JMAX = (NT + NSUB - 1) // NSUB
NRING = 2
GPW = G // NSUB


def _sc_segment_sum(nodes, idx_flat, zeros):
    mesh = plsc.VectorSubcoreMesh(core_axis_name="c", subcore_axis_name="s")

    @functools.partial(
        pl.kernel,
        out_type=jax.ShapeDtypeStruct((B, G, D), jnp.float32),
        mesh=mesh,
        compiler_params=pltpu.CompilerParams(needs_layout_passes=False),
        scratch_types=[
            pltpu.VMEM((NRING, TILE, D), jnp.float32),
            pltpu.VMEM((NRING, CA), jnp.int32),
            pltpu.VMEM((NRING, CB), jnp.int32),
            pltpu.VMEM_SHARED((G, D), jnp.float32),
            pltpu.VMEM_SHARED((G, D), jnp.float32),
            pltpu.SemaphoreType.DMA,
            pltpu.SemaphoreType.DMA,
            pltpu.SemaphoreType.DMA,
            pltpu.SemaphoreType.DMA,
        ],
    )
    def seg_kernel(nodes_h, idx_h, zeros_h, out_h,
                   nbuf, ia, ib, acc0, acc1,
                   semn0, semn1, semi0, semi1):
        c = lax.axis_index("c")
        s = lax.axis_index("s")
        batch = 2 * c + s // NSUB
        wb = s % NSUB
        lb = s // NSUB
        semn = (semn0, semn1)
        semi = (semi0, semi1)

        zslice = pl.ds(wb * GPW, GPW)

        @pl.when(lb == 0)
        def _():
            pltpu.sync_copy(zeros_h.at[zslice], acc0.at[zslice])

        @pl.when(lb == 1)
        def _():
            pltpu.sync_copy(zeros_h.at[zslice], acc1.at[zslice])

        plsc.subcore_barrier()

        def copies(j, slot):
            base = (wb + NSUB * j) * TILE
            fbase = batch * N + base
            return (
                pltpu.make_async_copy(
                    nodes_h.at[batch, pl.ds(base, TILE)], nbuf.at[slot], semn[slot]),
                pltpu.make_async_copy(
                    idx_h.at[pl.ds(fbase, CA)], ia.at[slot], semi[slot]),
                pltpu.make_async_copy(
                    idx_h.at[pl.ds(fbase + CA, CB)], ib.at[slot], semi[slot]),
            )

        def issue(j, slot):
            @pl.when(wb + NSUB * j < NT)
            def _():
                for d in copies(j, slot):
                    d.start()

        for p in range(NRING):
            issue(p, p)

        def body(jo, carry):
            for slot in range(NRING):
                j = NRING * jo + slot

                @pl.when(wb + NSUB * j < NT)
                def _(j=j, slot=slot):
                    for d in copies(j, slot):
                        d.wait()

                    @pl.when(lb == 0)
                    def _():
                        pltpu.sync_copy(nbuf.at[slot, pl.ds(0, CA)],
                                        acc0.at[ia.at[slot]], add=True)
                        pltpu.sync_copy(nbuf.at[slot, pl.ds(CA, CB)],
                                        acc0.at[ib.at[slot]], add=True)

                    @pl.when(lb == 1)
                    def _():
                        pltpu.sync_copy(nbuf.at[slot, pl.ds(0, CA)],
                                        acc1.at[ia.at[slot]], add=True)
                        pltpu.sync_copy(nbuf.at[slot, pl.ds(CA, CB)],
                                        acc1.at[ib.at[slot]], add=True)

                    issue(j + NRING, slot)
            return carry

        lax.fori_loop(0, (JMAX + NRING - 1) // NRING, body, 0)
        plsc.subcore_barrier()

        @pl.when(lb == 0)
        def _():
            pltpu.sync_copy(acc0.at[zslice], out_h.at[2 * c, zslice])

        @pl.when(lb == 1)
        def _():
            pltpu.sync_copy(acc1.at[zslice], out_h.at[2 * c + 1, zslice])

    return seg_kernel(nodes, idx_flat, zeros)


def _tc_head(seg, gl, W, b):

    def head_kernel(seg_ref, gl_ref, w_ref, b_ref, out_ref):
        w = w_ref[...]
        w1 = w[0:D, 0]
        w2 = w[D:2 * D, 0]
        bias = b_ref[0]
        for i in range(B):
            r = (jnp.sum(seg_ref[i] * w1[None, :], axis=-1)
                 + jnp.sum(gl_ref[i] * w2[None, :], axis=-1) + bias)
            out_ref[i] = r

    return pl.pallas_call(
        head_kernel,
        out_shape=jax.ShapeDtypeStruct((B, G), jnp.float32),
        in_specs=[
            pl.BlockSpec(memory_space=pltpu.MemorySpace.VMEM),
            pl.BlockSpec(memory_space=pltpu.MemorySpace.VMEM),
            pl.BlockSpec(memory_space=pltpu.MemorySpace.VMEM),
            pl.BlockSpec(memory_space=pltpu.MemorySpace.SMEM),
        ],
        out_specs=pl.BlockSpec(memory_space=pltpu.MemorySpace.VMEM),
    )(seg, gl, W, b)


def kernel(nodes, edges, receivers, senders, global_latent, node_graph_idx,
           edge_graph_idx, W, b):
    zeros = jnp.zeros((G, D), dtype=jnp.float32)
    seg = _sc_segment_sum(nodes, node_graph_idx.reshape(-1), zeros)
    out = _tc_head(seg, global_latent, W, b)
    return out.reshape(B, G, 1)

# --- scband reference (transcript-rebuilt; emitter-appended) ---
"""Pipeline reference for scband-decoder-layer-68461778698665 (READ-ONLY COPY).

The authoritative reference and input builder live on the scoring server;
editing this copy changes nothing except your own understanding.
"""

import jax, jax.numpy as jnp
import numpy as np

N_GRAPHS = 256


def setup_inputs(seed: int = 0) -> dict:
    key = jax.random.key(seed)
    ks = jax.random.split(key, 9)
    nodes = jax.random.normal(ks[0], (4, 25000, 128), dtype=jnp.float32)
    edges = jax.random.normal(ks[1], (4, 400000, 4), dtype=jnp.float32)
    receivers = jax.random.randint(ks[2], (4, 400000), 0, 25000, dtype=jnp.int32)
    senders = jax.random.randint(ks[3], (4, 400000), 0, 25000, dtype=jnp.int32)
    global_latent = jax.random.normal(ks[4], (4, N_GRAPHS, 128), dtype=jnp.float32)
    node_graph_idx = jnp.sort(jax.random.randint(ks[5], (4, 25000), 0, N_GRAPHS, dtype=jnp.int32), axis=-1)
    edge_graph_idx = jnp.sort(jax.random.randint(ks[6], (4, 400000), 0, N_GRAPHS, dtype=jnp.int32), axis=-1)
    # global_model: Dense(256 -> 1) head applied to concat([scattered_nodes, global_latent])
    W = jax.random.normal(ks[7], (256, 1), dtype=jnp.float32) * 0.0625
    b = jnp.zeros((1,), dtype=jnp.float32)
    return {
        'nodes': nodes, 'edges': edges, 'receivers': receivers, 'senders': senders,
        'global_latent': global_latent, 'node_graph_idx': node_graph_idx,
        'edge_graph_idx': edge_graph_idx, 'W': W, 'b': b,
    }


def reference(nodes, edges, receivers, senders, global_latent, node_graph_idx, edge_graph_idx, W, b):
    # _scatter with gather_scatter='debug': per-pack unsorted_segment_sum over node_graph_idx
    def _seg(d, i):
        return jax.ops.segment_sum(d, i, num_segments=N_GRAPHS)
    node_inputs_to_global_decoder = jax.vmap(_seg)(nodes, node_graph_idx)  # [B, n_graphs, d]
    # decoder_mode='node_global': concat scattered node features with global latent
    inputs_to_decoder = jnp.concatenate([node_inputs_to_global_decoder, global_latent], axis=-1)  # [B, n_graphs, 256]
    # global_model (Dense head)
    logits = jnp.einsum('bgd,do->bgo', inputs_to_decoder, W) + b
    return logits

if __name__ == "__main__":
    import jax
    _d = setup_inputs()
    print(jax.jit(kernel)(*tuple(_d.values())))

</pallas_src>

<mosaic_0001>
#map = affine_map<(d0, d1) -> (0, 0, 0)>
#map1 = affine_map<(d0, d1) -> (0)>
#map2 = affine_map<(d0, d1) -> (0, 0)>
module attributes {stable_mosaic.version = 14 : i64} {
  func.func @seg_kernel(%arg0: i32, %arg1: i32, %arg2: memref<4x25000x128xf32, #tpu.memory_space<hbm>>, %arg3: memref<100000xi32, #tpu.memory_space<hbm>>, %arg4: memref<256x128xf32, #tpu.memory_space<hbm>>, %arg5: memref<4x256x128xf32, #tpu.memory_space<hbm>>, %arg6: memref<2x200x128xf32, #tpu.memory_space<vmem>>, %arg7: memref<2x120xi32, #tpu.memory_space<vmem>>, %arg8: memref<2x80xi32, #tpu.memory_space<vmem>>, %arg9: memref<256x128xf32, #tpu.memory_space<vmem_shared>>, %arg10: memref<256x128xf32, #tpu.memory_space<vmem_shared>>, %arg11: memref<!tpu.dma_semaphore, #tpu.memory_space<semaphore_mem>>, %arg12: memref<!tpu.dma_semaphore, #tpu.memory_space<semaphore_mem>>, %arg13: memref<!tpu.dma_semaphore, #tpu.memory_space<semaphore_mem>>, %arg14: memref<!tpu.dma_semaphore, #tpu.memory_space<semaphore_mem>>) attributes {dimension_semantics = [#tpu.dimension_semantics<core_parallel>, #tpu.dimension_semantics<subcore_parallel>], iteration_bounds = array<i64: 2, 16>, scalar_prefetch = 0 : i64, scratch_operands = 9 : i64, tpu.core_type = #tpu.core_type<sc_vector_subcore>, window_params = [{transform_indices = #map}, {transform_indices = #map1}, {transform_indices = #map2}, {transform_indices = #map}]} {
    %mul3A = arith.constant 2 : i32
    %mul3A_0 = arith.muli %mul3A, %arg0 : i32
    %jit3A = arith.constant 8 : i32
    %div3A = arith.divsi %arg1, %jit3A : i32
    %sign3A = arith.constant 0 : i32
    %sign3A_1 = arith.cmpi sgt, %arg1, %sign3A : i32
    %sign3A_2 = arith.extui %sign3A_1 : i1 to i32
    %sign3A_3 = arith.constant 0 : i32
    %sign3A_4 = arith.cmpi slt, %arg1, %sign3A_3 : i32
    %sign3A_5 = arith.extui %sign3A_4 : i1 to i32
    %sign3A_6 = arith.subi %sign3A_2, %sign3A_5 : i32
    %sign3A_7 = arith.constant 0 : i32
    %sign3A_8 = arith.cmpi sgt, %jit3A, %sign3A_7 : i32
    %sign3A_9 = arith.extui %sign3A_8 : i1 to i32
    %sign3A_10 = arith.constant 0 : i32
    %sign3A_11 = arith.cmpi slt, %jit3A, %sign3A_10 : i32
    %sign3A_12 = arith.extui %sign3A_11 : i1 to i32
    %sign3A_13 = arith.subi %sign3A_9, %sign3A_12 : i32
    %ne3A = arith.cmpi ne, %sign3A_6, %sign3A_13 : i32
    %rem3A = arith.remsi %arg1, %jit3A : i32
    %ne3A_14 = arith.constant 0 : i32
    %ne3A_15 = arith.cmpi ne, %rem3A, %ne3A_14 : i32
    %and3A = arith.andi %ne3A, %ne3A_15 : i1
    %sub3A = arith.constant 1 : i32
    %sub3A_16 = arith.subi %div3A, %sub3A : i32
    %select_n3A = arith.select %and3A, %sub3A_16, %div3A : i32
    %add3A = arith.addi %mul3A_0, %select_n3A : i32
    %jit3A_17 = arith.constant 8 : i32
    %eq3A = arith.constant 0 : i32
    %eq3A_18 = arith.cmpi eq, %jit3A_17, %eq3A : i32
    %jit3A_19 = arith.constant 1 : i32
    %select_n3A_20 = arith.select %eq3A_18, %jit3A_19, %jit3A_17 : i32
    %rem3A_21 = arith.remsi %arg1, %select_n3A_20 : i32
    %ne3A_22 = arith.constant 0 : i32
    %ne3A_23 = arith.cmpi ne, %rem3A_21, %ne3A_22 : i32
    %lt3A = arith.constant 0 : i32
    %lt3A_24 = arith.cmpi slt, %rem3A_21, %lt3A : i32
    %lt3A_25 = arith.constant 0 : i32
    %lt3A_26 = arith.cmpi slt, %select_n3A_20, %lt3A_25 : i32
    %ne3A_27 = arith.xori %lt3A_24, %lt3A_26 : i1
    %and3A_28 = arith.andi %ne3A_27, %ne3A_23 : i1
    %add3A_29 = arith.addi %rem3A_21, %select_n3A_20 : i32
    %select_n3A_30 = arith.select %and3A_28, %add3A_29, %rem3A_21 : i32
    %jit3A_31 = arith.constant 8 : i32
    %div3A_32 = arith.divsi %arg1, %jit3A_31 : i32
    %sign3A_33 = arith.constant 0 : i32
    %sign3A_34 = arith.cmpi sgt, %arg1, %sign3A_33 : i32
    %sign3A_35 = arith.extui %sign3A_34 : i1 to i32
    %sign3A_36 = arith.constant 0 : i32
    %sign3A_37 = arith.cmpi slt, %arg1, %sign3A_36 : i32
    %sign3A_38 = arith.extui %sign3A_37 : i1 to i32
    %sign3A_39 = arith.subi %sign3A_35, %sign3A_38 : i32
    %sign3A_40 = arith.constant 0 : i32
    %sign3A_41 = arith.cmpi sgt, %jit3A_31, %sign3A_40 : i32
    %sign3A_42 = arith.extui %sign3A_41 : i1 to i32
    %sign3A_43 = arith.constant 0 : i32
    %sign3A_44 = arith.cmpi slt, %jit3A_31, %sign3A_43 : i32
    %sign3A_45 = arith.extui %sign3A_44 : i1 to i32
    %sign3A_46 = arith.subi %sign3A_42, %sign3A_45 : i32
    %ne3A_47 = arith.cmpi ne, %sign3A_39, %sign3A_46 : i32
    %rem3A_48 = arith.remsi %arg1, %jit3A_31 : i32
    %ne3A_49 = arith.constant 0 : i32
    %ne3A_50 = arith.cmpi ne, %rem3A_48, %ne3A_49 : i32
    %and3A_51 = arith.andi %ne3A_47, %ne3A_50 : i1
    %sub3A_52 = arith.constant 1 : i32
    %sub3A_53 = arith.subi %div3A_32, %sub3A_52 : i32
    %select_n3A_54 = arith.select %and3A_51, %sub3A_53, %div3A_32 : i32
    %mul3A_55 = arith.constant 32 : i32
    %mul3A_56 = arith.muli %select_n3A_30, %mul3A_55 : i32
    %eq3A_57 = arith.constant 0 : i32
    %eq3A_58 = arith.cmpi eq, %select_n3A_54, %eq3A_57 : i32
    %convert_element_type3A = arith.extui %eq3A_58 : i1 to i32
    %cond3A = arith.constant 0 : i32
    %cond3A_59 = arith.cmpi ne, %convert_element_type3A, %cond3A : i32
    scf.if %cond3A_59 {
      "tpu.region"() ({
        %run_scoped3A = tpu.sem_alloc : memref<!tpu.dma_semaphore, #tpu.memory_space<semaphore_mem>>
        %dma_start3A = arith.constant 0 : i32
        %dma_start3A_95 = tpu.memref_slice %arg9[%mul3A_56, %dma_start3A] : memref<256x128xf32, #tpu.memory_space<vmem_shared>> -> memref<32x128xf32, #tpu.memory_space<vmem_shared>>
        %dma_start3A_96 = arith.constant 0 : i32
        %dma_start3A_97 = tpu.memref_slice %arg4[%mul3A_56, %dma_start3A_96] : memref<256x128xf32, #tpu.memory_space<hbm>> -> memref<32x128xf32, #tpu.memory_space<hbm>>
        tpu.enqueue_dma source(%dma_start3A_97 : memref<32x128xf32, #tpu.memory_space<hbm>>) target(%dma_start3A_95 : memref<32x128xf32, #tpu.memory_space<vmem_shared>>) target_semaphore(%run_scoped3A : memref<!tpu.dma_semaphore, #tpu.memory_space<semaphore_mem>>)
        %dma_wait3A = arith.constant 0 : i32
        %dma_wait3A_98 = tpu.memref_slice %arg9[%mul3A_56, %dma_wait3A] : memref<256x128xf32, #tpu.memory_space<vmem_shared>> -> memref<32x128xf32, #tpu.memory_space<vmem_shared>>
        %dma_wait3A_99 = arith.constant 0 : i32
        %dma_wait3A_100 = tpu.memref_slice %arg4[%mul3A_56, %dma_wait3A_99] : memref<256x128xf32, #tpu.memory_space<hbm>> -> memref<32x128xf32, #tpu.memory_space<hbm>>
        tpu.wait_dma2 semaphore(%run_scoped3A : memref<!tpu.dma_semaphore, #tpu.memory_space<semaphore_mem>>) src(%dma_wait3A_100 : memref<32x128xf32, #tpu.memory_space<hbm>>) dst(%dma_wait3A_98 : memref<32x128xf32, #tpu.memory_space<vmem_shared>>)
        tpu.yield
      }) : () -> ()
    } else {
    }
    %eq3A_60 = arith.constant 1 : i32
    %eq3A_61 = arith.cmpi eq, %select_n3A_54, %eq3A_60 : i32
    %convert_element_type3A_62 = arith.extui %eq3A_61 : i1 to i32
    %cond3A_63 = arith.constant 0 : i32
    %cond3A_64 = arith.cmpi ne, %convert_element_type3A_62, %cond3A_63 : i32
    scf.if %cond3A_64 {
      "tpu.region"() ({
        %run_scoped3A = tpu.sem_alloc : memref<!tpu.dma_semaphore, #tpu.memory_space<semaphore_mem>>
        %dma_start3A = arith.constant 0 : i32
        %dma_start3A_95 = tpu.memref_slice %arg10[%mul3A_56, %dma_start3A] : memref<256x128xf32, #tpu.memory_space<vmem_shared>> -> memref<32x128xf32, #tpu.memory_space<vmem_shared>>
        %dma_start3A_96 = arith.constant 0 : i32
        %dma_start3A_97 = tpu.memref_slice %arg4[%mul3A_56, %dma_start3A_96] : memref<256x128xf32, #tpu.memory_space<hbm>> -> memref<32x128xf32, #tpu.memory_space<hbm>>
        tpu.enqueue_dma source(%dma_start3A_97 : memref<32x128xf32, #tpu.memory_space<hbm>>) target(%dma_start3A_95 : memref<32x128xf32, #tpu.memory_space<vmem_shared>>) target_semaphore(%run_scoped3A : memref<!tpu.dma_semaphore, #tpu.memory_space<semaphore_mem>>)
        %dma_wait3A = arith.constant 0 : i32
        %dma_wait3A_98 = tpu.memref_slice %arg10[%mul3A_56, %dma_wait3A] : memref<256x128xf32, #tpu.memory_space<vmem_shared>> -> memref<32x128xf32, #tpu.memory_space<vmem_shared>>
        %dma_wait3A_99 = arith.constant 0 : i32
        %dma_wait3A_100 = tpu.memref_slice %arg4[%mul3A_56, %dma_wait3A_99] : memref<256x128xf32, #tpu.memory_space<hbm>> -> memref<32x128xf32, #tpu.memory_space<hbm>>
        tpu.wait_dma2 semaphore(%run_scoped3A : memref<!tpu.dma_semaphore, #tpu.memory_space<semaphore_mem>>) src(%dma_wait3A_100 : memref<32x128xf32, #tpu.memory_space<hbm>>) dst(%dma_wait3A_98 : memref<32x128xf32, #tpu.memory_space<vmem_shared>>)
        tpu.yield
      }) : () -> ()
    } else {
    }
    %barrier3A = arith.constant 0 : index
    tpu.barrier barrier_id(%barrier3A)
    %add3A_65 = arith.constant 0 : i32
    %add3A_66 = arith.addi %select_n3A_30, %add3A_65 : i32
    %lt3A_67 = arith.constant 125 : i32
    %lt3A_68 = arith.cmpi slt, %add3A_66, %lt3A_67 : i32
    %convert_element_type3A_69 = arith.extui %lt3A_68 : i1 to i32
    %cond3A_70 = arith.constant 0 : i32
    %cond3A_71 = arith.cmpi ne, %convert_element_type3A_69, %cond3A_70 : i32
    scf.if %cond3A_71 {
      %add3A_95 = arith.constant 0 : i32
      %add3A_96 = arith.addi %select_n3A_30, %add3A_95 : i32
      %mul3A_97 = arith.constant 200 : i32
      %mul3A_98 = arith.muli %add3A_96, %mul3A_97 : i32
      %mul3A_99 = arith.constant 25000 : i32
      %mul3A_100 = arith.muli %add3A, %mul3A_99 : i32
      %add3A_101 = arith.addi %mul3A_100, %mul3A_98 : i32
      %add3A_102 = arith.constant 120 : i32
      %add3A_103 = arith.addi %add3A_101, %add3A_102 : i32
      %dma_start3A = arith.constant 0 : i32
      %dma_start3A_104 = arith.constant 0 : i32
      %dma_start3A_105 = arith.constant 0 : i32
      %dma_start3A_106 = tpu.memref_slice %arg6[%dma_start3A, %dma_start3A_104, %dma_start3A_105] : memref<2x200x128xf32, #tpu.memory_space<vmem>> -> memref<1x200x128xf32, #tpu.memory_space<vmem>>
      %dma_start3A_107 = tpu.memref_squeeze %dma_start3A_106 : memref<1x200x128xf32, #tpu.memory_space<vmem>> -> memref<200x128xf32, #tpu.memory_space<vmem>>
      %dma_start3A_108 = arith.constant 0 : i32
      %dma_start3A_109 = tpu.memref_slice %arg2[%add3A, %mul3A_98, %dma_start3A_108] : memref<4x25000x128xf32, #tpu.memory_space<hbm>> -> memref<1x200x128xf32, #tpu.memory_space<hbm>>
      %dma_start3A_110 = tpu.memref_squeeze %dma_start3A_109 : memref<1x200x128xf32, #tpu.memory_space<hbm>> -> memref<200x128xf32, #tpu.memory_space<hbm>>
      %dma_start3A_111 = arith.constant 0 : i32
      %dma_start3A_112 = arith.constant 0 : i32
      %dma_start3A_113 = tpu.memref_slice %arg6[%dma_start3A, %dma_start3A_111, %dma_start3A_112] : memref<2x200x128xf32, #tpu.memory_space<vmem>> -> memref<1x200x128xf32, #tpu.memory_space<vmem>>
      %dma_start3A_114 = tpu.memref_squeeze %dma_start3A_113 : memref<1x200x128xf32, #tpu.memory_space<vmem>> -> memref<200x128xf32, #tpu.memory_space<vmem>>
      %dma_start3A_115 = arith.constant 0 : i32
      %dma_start3A_116 = tpu.memref_slice %arg2[%add3A, %mul3A_98, %dma_start3A_115] : memref<4x25000x128xf32, #tpu.memory_space<hbm>> -> memref<1x200x128xf32, #tpu.memory_space<hbm>>
      %dma_start3A_117 = tpu.memref_squeeze %dma_start3A_116 : memref<1x200x128xf32, #tpu.memory_space<hbm>> -> memref<200x128xf32, #tpu.memory_space<hbm>>
      tpu.enqueue_dma source(%dma_start3A_117 : memref<200x128xf32, #tpu.memory_space<hbm>>) target(%dma_start3A_114 : memref<200x128xf32, #tpu.memory_space<vmem>>) target_semaphore(%arg11 : memref<!tpu.dma_semaphore, #tpu.memory_space<semaphore_mem>>)
      %dma_start3A_118 = arith.constant 0 : i32
      %dma_start3A_119 = arith.constant 0 : i32
      %dma_start3A_120 = tpu.memref_slice %arg7[%dma_start3A_118, %dma_start3A_119] : memref<2x120xi32, #tpu.memory_space<vmem>> -> memref<1x120xi32, #tpu.memory_space<vmem>>
      %dma_start3A_121 = tpu.memref_squeeze %dma_start3A_120 : memref<1x120xi32, #tpu.memory_space<vmem>> -> memref<120xi32, #tpu.memory_space<vmem>>
      %dma_start3A_122 = tpu.memref_slice %arg3[%add3A_101] : memref<100000xi32, #tpu.memory_space<hbm>> -> memref<120xi32, #tpu.memory_space<hbm>>
      %dma_start3A_123 = arith.constant 0 : i32
      %dma_start3A_124 = tpu.memref_slice %arg7[%dma_start3A_118, %dma_start3A_123] : memref<2x120xi32, #tpu.memory_space<vmem>> -> memref<1x120xi32, #tpu.memory_space<vmem>>
      %dma_start3A_125 = tpu.memref_squeeze %dma_start3A_124 : memref<1x120xi32, #tpu.memory_space<vmem>> -> memref<120xi32, #tpu.memory_space<vmem>>
      %dma_start3A_126 = tpu.memref_slice %arg3[%add3A_101] : memref<100000xi32, #tpu.memory_space<hbm>> -> memref<120xi32, #tpu.memory_space<hbm>>
      tpu.enqueue_dma source(%dma_start3A_126 : memref<120xi32, #tpu.memory_space<hbm>>) target(%dma_start3A_125 : memref<120xi32, #tpu.memory_space<vmem>>) target_semaphore(%arg13 : memref<!tpu.dma_semaphore, #tpu.memory_space<semaphore_mem>>)
      %dma_start3A_127 = arith.constant 0 : i32
      %dma_start3A_128 = arith.constant 0 : i32
      %dma_start3A_129 = tpu.memref_slice %arg8[%dma_start3A_127, %dma_start3A_128] : memref<2x80xi32, #tpu.memory_space<vmem>> -> memref<1x80xi32, #tpu.memory_space<vmem>>
      %dma_start3A_130 = tpu.memref_squeeze %dma_start3A_129 : memref<1x80xi32, #tpu.memory_space<vmem>> -> memref<80xi32, #tpu.memory_space<vmem>>
      %dma_start3A_131 = tpu.memref_slice %arg3[%add3A_103] : memref<100000xi32, #tpu.memory_space<hbm>> -> memref<80xi32, #tpu.memory_space<hbm>>
      %dma_start3A_132 = arith.constant 0 : i32
      %dma_start3A_133 = tpu.memref_slice %arg8[%dma_start3A_127, %dma_start3A_132] : memref<2x80xi32, #tpu.memory_space<vmem>> -> memref<1x80xi32, #tpu.memory_space<vmem>>
      %dma_start3A_134 = tpu.memref_squeeze %dma_start3A_133 : memref<1x80xi32, #tpu.memory_space<vmem>> -> memref<80xi32, #tpu.memory_space<vmem>>
      %dma_start3A_135 = tpu.memref_slice %arg3[%add3A_103] : memref<100000xi32, #tpu.memory_space<hbm>> -> memref<80xi32, #tpu.memory_space<hbm>>
      tpu.enqueue_dma source(%dma_start3A_135 : memref<80xi32, #tpu.memory_space<hbm>>) target(%dma_start3A_134 : memref<80xi32, #tpu.memory_space<vmem>>) target_semaphore(%arg13 : memref<!tpu.dma_semaphore, #tpu.memory_space<semaphore_mem>>)
    } else {
    }
    %add3A_72 = arith.constant 8 : i32
    %add3A_73 = arith.addi %select_n3A_30, %add3A_72 : i32
    %lt3A_74 = arith.constant 125 : i32
    %lt3A_75 = arith.cmpi slt, %add3A_73, %lt3A_74 : i32
    %convert_element_type3A_76 = arith.extui %lt3A_75 : i1 to i32
    %cond3A_77 = arith.constant 0 : i32
    %cond3A_78 = arith.cmpi ne, %convert_element_type3A_76, %cond3A_77 : i32
    scf.if %cond3A_78 {
      %add3A_95 = arith.constant 8 : i32
      %add3A_96 = arith.addi %select_n3A_30, %add3A_95 : i32
      %mul3A_97 = arith.constant 200 : i32
      %mul3A_98 = arith.muli %add3A_96, %mul3A_97 : i32
      %mul3A_99 = arith.constant 25000 : i32
      %mul3A_100 = arith.muli %add3A, %mul3A_99 : i32
      %add3A_101 = arith.addi %mul3A_100, %mul3A_98 : i32
      %add3A_102 = arith.constant 120 : i32
      %add3A_103 = arith.addi %add3A_101, %add3A_102 : i32
      %dma_start3A = arith.constant 1 : i32
      %dma_start3A_104 = arith.constant 0 : i32
      %dma_start3A_105 = arith.constant 0 : i32
      %dma_start3A_106 = tpu.memref_slice %arg6[%dma_start3A, %dma_start3A_104, %dma_start3A_105] : memref<2x200x128xf32, #tpu.memory_space<vmem>> -> memref<1x200x128xf32, #tpu.memory_space<vmem>>
      %dma_start3A_107 = tpu.memref_squeeze %dma_start3A_106 : memref<1x200x128xf32, #tpu.memory_space<vmem>> -> memref<200x128xf32, #tpu.memory_space<vmem>>
      %dma_start3A_108 = arith.constant 0 : i32
      %dma_start3A_109 = tpu.memref_slice %arg2[%add3A, %mul3A_98, %dma_start3A_108] : memref<4x25000x128xf32, #tpu.memory_space<hbm>> -> memref<1x200x128xf32, #tpu.memory_space<hbm>>
      %dma_start3A_110 = tpu.memref_squeeze %dma_start3A_109 : memref<1x200x128xf32, #tpu.memory_space<hbm>> -> memref<200x128xf32, #tpu.memory_space<hbm>>
      %dma_start3A_111 = arith.constant 0 : i32
      %dma_start3A_112 = arith.constant 0 : i32
      %dma_start3A_113 = tpu.memref_slice %arg6[%dma_start3A, %dma_start3A_111, %dma_start3A_112] : memref<2x200x128xf32, #tpu.memory_space<vmem>> -> memref<1x200x128xf32, #tpu.memory_space<vmem>>
      %dma_start3A_114 = tpu.memref_squeeze %dma_start3A_113 : memref<1x200x128xf32, #tpu.memory_space<vmem>> -> memref<200x128xf32, #tpu.memory_space<vmem>>
      %dma_start3A_115 = arith.constant 0 : i32
      %dma_start3A_116 = tpu.memref_slice %arg2[%add3A, %mul3A_98, %dma_start3A_115] : memref<4x25000x128xf32, #tpu.memory_space<hbm>> -> memref<1x200x128xf32, #tpu.memory_space<hbm>>
      %dma_start3A_117 = tpu.memref_squeeze %dma_start3A_116 : memref<1x200x128xf32, #tpu.memory_space<hbm>> -> memref<200x128xf32, #tpu.memory_space<hbm>>
      tpu.enqueue_dma source(%dma_start3A_117 : memref<200x128xf32, #tpu.memory_space<hbm>>) target(%dma_start3A_114 : memref<200x128xf32, #tpu.memory_space<vmem>>) target_semaphore(%arg12 : memref<!tpu.dma_semaphore, #tpu.memory_space<semaphore_mem>>)
      %dma_start3A_118 = arith.constant 1 : i32
      %dma_start3A_119 = arith.constant 0 : i32
      %dma_start3A_120 = tpu.memref_slice %arg7[%dma_start3A_118, %dma_start3A_119] : memref<2x120xi32, #tpu.memory_space<vmem>> -> memref<1x120xi32, #tpu.memory_space<vmem>>
      %dma_start3A_121 = tpu.memref_squeeze %dma_start3A_120 : memref<1x120xi32, #tpu.memory_space<vmem>> -> memref<120xi32, #tpu.memory_space<vmem>>
      %dma_start3A_122 = tpu.memref_slice %arg3[%add3A_101] : memref<100000xi32, #tpu.memory_space<hbm>> -> memref<120xi32, #tpu.memory_space<hbm>>
      %dma_start3A_123 = arith.constant 0 : i32
      %dma_start3A_124 = tpu.memref_slice %arg7[%dma_start3A_118, %dma_start3A_123] : memref<2x120xi32, #tpu.memory_space<vmem>> -> memref<1x120xi32, #tpu.memory_space<vmem>>
      %dma_start3A_125 = tpu.memref_squeeze %dma_start3A_124 : memref<1x120xi32, #tpu.memory_space<vmem>> -> memref<120xi32, #tpu.memory_space<vmem>>
      %dma_start3A_126 = tpu.memref_slice %arg3[%add3A_101] : memref<100000xi32, #tpu.memory_space<hbm>> -> memref<120xi32, #tpu.memory_space<hbm>>
      tpu.enqueue_dma source(%dma_start3A_126 : memref<120xi32, #tpu.memory_space<hbm>>) target(%dma_start3A_125 : memref<120xi32, #tpu.memory_space<vmem>>) target_semaphore(%arg14 : memref<!tpu.dma_semaphore, #tpu.memory_space<semaphore_mem>>)
      %dma_start3A_127 = arith.constant 1 : i32
      %dma_start3A_128 = arith.constant 0 : i32
      %dma_start3A_129 = tpu.memref_slice %arg8[%dma_start3A_127, %dma_start3A_128] : memref<2x80xi32, #tpu.memory_space<vmem>> -> memref<1x80xi32, #tpu.memory_space<vmem>>
      %dma_start3A_130 = tpu.memref_squeeze %dma_start3A_129 : memref<1x80xi32, #tpu.memory_space<vmem>> -> memref<80xi32, #tpu.memory_space<vmem>>
      %dma_start3A_131 = tpu.memref_slice %arg3[%add3A_103] : memref<100000xi32, #tpu.memory_space<hbm>> -> memref<80xi32, #tpu.memory_space<hbm>>
      %dma_start3A_132 = arith.constant 0 : i32
      %dma_start3A_133 = tpu.memref_slice %arg8[%dma_start3A_127, %dma_start3A_132] : memref<2x80xi32, #tpu.memory_space<vmem>> -> memref<1x80xi32, #tpu.memory_space<vmem>>
      %dma_start3A_134 = tpu.memref_squeeze %dma_start3A_133 : memref<1x80xi32, #tpu.memory_space<vmem>> -> memref<80xi32, #tpu.memory_space<vmem>>
      %dma_start3A_135 = tpu.memref_slice %arg3[%add3A_103] : memref<100000xi32, #tpu.memory_space<hbm>> -> memref<80xi32, #tpu.memory_space<hbm>>
      tpu.enqueue_dma source(%dma_start3A_135 : memref<80xi32, #tpu.memory_space<hbm>>) target(%dma_start3A_134 : memref<80xi32, #tpu.memory_space<vmem>>) target_semaphore(%arg14 : memref<!tpu.dma_semaphore, #tpu.memory_space<semaphore_mem>>)
    } else {
    }
    %scan3A = arith.constant 0 : i32
    %scan3A_79 = arith.constant 0 : i32
    %scan3A_80 = arith.constant 8 : i32
    %scan3A_81 = arith.addi %scan3A_79, %scan3A_80 : i32
    %scan3A_82 = arith.constant 1 : i32
    scf.for %scan3A_95 = %scan3A_79 to %scan3A_81 step %scan3A_82  : i32 {
      %mul3A_96 = arith.constant 2 : i32
      %mul3A_97 = arith.muli %mul3A_96, %scan3A_95 : i32
      %add3A_98 = arith.constant 0 : i32
      %add3A_99 = arith.addi %mul3A_97, %add3A_98 : i32
      %mul3A_100 = arith.constant 8 : i32
      %mul3A_101 = arith.muli %mul3A_100, %add3A_99 : i32
      %add3A_102 = arith.addi %select_n3A_30, %mul3A_101 : i32
      %lt3A_103 = arith.constant 125 : i32
      %lt3A_104 = arith.cmpi slt, %add3A_102, %lt3A_103 : i32
      %convert_element_type3A_105 = arith.extui %lt3A_104 : i1 to i32
      %cond3A_106 = arith.constant 0 : i32
      %cond3A_107 = arith.cmpi ne, %convert_element_type3A_105, %cond3A_106 : i32
      scf.if %cond3A_107 {
        %mul3A_120 = arith.constant 8 : i32
        %mul3A_121 = arith.muli %mul3A_120, %add3A_99 : i32
        %add3A_122 = arith.addi %select_n3A_30, %mul3A_121 : i32
        %mul3A_123 = arith.constant 200 : i32
        %mul3A_124 = arith.muli %add3A_122, %mul3A_123 : i32
        %mul3A_125 = arith.constant 25000 : i32
        %mul3A_126 = arith.muli %add3A, %mul3A_125 : i32
        %add3A_127 = arith.addi %mul3A_126, %mul3A_124 : i32
        %add3A_128 = arith.constant 120 : i32
        %add3A_129 = arith.addi %add3A_127, %add3A_128 : i32
        %dma_wait3A = arith.constant 0 : i32
        %dma_wait3A_130 = arith.constant 0 : i32
        %dma_wait3A_131 = arith.constant 0 : i32
        %dma_wait3A_132 = tpu.memref_slice %arg6[%dma_wait3A, %dma_wait3A_130, %dma_wait3A_131] : memref<2x200x128xf32, #tpu.memory_space<vmem>> -> memref<1x200x128xf32, #tpu.memory_space<vmem>>
        %dma_wait3A_133 = tpu.memref_squeeze %dma_wait3A_132 : memref<1x200x128xf32, #tpu.memory_space<vmem>> -> memref<200x128xf32, #tpu.memory_space<vmem>>
        %dma_wait3A_134 = arith.constant 0 : i32
        %dma_wait3A_135 = tpu.memref_slice %arg2[%add3A, %mul3A_124, %dma_wait3A_134] : memref<4x25000x128xf32, #tpu.memory_space<hbm>> -> memref<1x200x128xf32, #tpu.memory_space<hbm>>
        %dma_wait3A_136 = tpu.memref_squeeze %dma_wait3A_135 : memref<1x200x128xf32, #tpu.memory_space<hbm>> -> memref<200x128xf32, #tpu.memory_space<hbm>>
        %dma_wait3A_137 = arith.constant 0 : i32
        %dma_wait3A_138 = arith.constant 0 : i32
        %dma_wait3A_139 = tpu.memref_slice %arg6[%dma_wait3A, %dma_wait3A_137, %dma_wait3A_138] : memref<2x200x128xf32, #tpu.memory_space<vmem>> -> memref<1x200x128xf32, #tpu.memory_space<vmem>>
        %dma_wait3A_140 = tpu.memref_squeeze %dma_wait3A_139 : memref<1x200x128xf32, #tpu.memory_space<vmem>> -> memref<200x128xf32, #tpu.memory_space<vmem>>
        %dma_wait3A_141 = arith.constant 0 : i32
        %dma_wait3A_142 = tpu.memref_slice %arg2[%add3A, %mul3A_124, %dma_wait3A_141] : memref<4x25000x128xf32, #tpu.memory_space<hbm>> -> memref<1x200x128xf32, #tpu.memory_space<hbm>>
        %dma_wait3A_143 = tpu.memref_squeeze %dma_wait3A_142 : memref<1x200x128xf32, #tpu.memory_space<hbm>> -> memref<200x128xf32, #tpu.memory_space<hbm>>
        tpu.wait_dma2 semaphore(%arg11 : memref<!tpu.dma_semaphore, #tpu.memory_space<semaphore_mem>>) src(%dma_wait3A_143 : memref<200x128xf32, #tpu.memory_space<hbm>>) dst(%dma_wait3A_140 : memref<200x128xf32, #tpu.memory_space<vmem>>)
        %dma_wait3A_144 = arith.constant 0 : i32
        %dma_wait3A_145 = arith.constant 0 : i32
        %dma_wait3A_146 = tpu.memref_slice %arg7[%dma_wait3A_144, %dma_wait3A_145] : memref<2x120xi32, #tpu.memory_space<vmem>> -> memref<1x120xi32, #tpu.memory_space<vmem>>
        %dma_wait3A_147 = tpu.memref_squeeze %dma_wait3A_146 : memref<1x120xi32, #tpu.memory_space<vmem>> -> memref<120xi32, #tpu.memory_space<vmem>>
        %dma_wait3A_148 = tpu.memref_slice %arg3[%add3A_127] : memref<100000xi32, #tpu.memory_space<hbm>> -> memref<120xi32, #tpu.memory_space<hbm>>
        %dma_wait3A_149 = arith.constant 0 : i32
        %dma_wait3A_150 = tpu.memref_slice %arg7[%dma_wait3A_144, %dma_wait3A_149] : memref<2x120xi32, #tpu.memory_space<vmem>> -> memref<1x120xi32, #tpu.memory_space<vmem>>
        %dma_wait3A_151 = tpu.memref_squeeze %dma_wait3A_150 : memref<1x120xi32, #tpu.memory_space<vmem>> -> memref<120xi32, #tpu.memory_space<vmem>>
        %dma_wait3A_152 = tpu.memref_slice %arg3[%add3A_127] : memref<100000xi32, #tpu.memory_space<hbm>> -> memref<120xi32, #tpu.memory_space<hbm>>
        tpu.wait_dma2 semaphore(%arg13 : memref<!tpu.dma_semaphore, #tpu.memory_space<semaphore_mem>>) src(%dma_wait3A_152 : memref<120xi32, #tpu.memory_space<hbm>>) dst(%dma_wait3A_151 : memref<120xi32, #tpu.memory_space<vmem>>)
        %dma_wait3A_153 = arith.constant 0 : i32
        %dma_wait3A_154 = arith.constant 0 : i32
        %dma_wait3A_155 = tpu.memref_slice %arg8[%dma_wait3A_153, %dma_wait3A_154] : memref<2x80xi32, #tpu.memory_space<vmem>> -> memref<1x80xi32, #tpu.memory_space<vmem>>
        %dma_wait3A_156 = tpu.memref_squeeze %dma_wait3A_155 : memref<1x80xi32, #tpu.memory_space<vmem>> -> memref<80xi32, #tpu.memory_space<vmem>>
        %dma_wait3A_157 = tpu.memref_slice %arg3[%add3A_129] : memref<100000xi32, #tpu.memory_space<hbm>> -> memref<80xi32, #tpu.memory_space<hbm>>
        %dma_wait3A_158 = arith.constant 0 : i32
        %dma_wait3A_159 = tpu.memref_slice %arg8[%dma_wait3A_153, %dma_wait3A_158] : memref<2x80xi32, #tpu.memory_space<vmem>> -> memref<1x80xi32, #tpu.memory_space<vmem>>
        %dma_wait3A_160 = tpu.memref_squeeze %dma_wait3A_159 : memref<1x80xi32, #tpu.memory_space<vmem>> -> memref<80xi32, #tpu.memory_space<vmem>>
        %dma_wait3A_161 = tpu.memref_slice %arg3[%add3A_129] : memref<100000xi32, #tpu.memory_space<hbm>> -> memref<80xi32, #tpu.memory_space<hbm>>
        tpu.wait_dma2 semaphore(%arg13 : memref<!tpu.dma_semaphore, #tpu.memory_space<semaphore_mem>>) src(%dma_wait3A_161 : memref<80xi32, #tpu.memory_space<hbm>>) dst(%dma_wait3A_160 : memref<80xi32, #tpu.memory_space<vmem>>)
        %eq3A_162 = arith.constant 0 : i32
        %eq3A_163 = arith.cmpi eq, %select_n3A_54, %eq3A_162 : i32
        %convert_element_type3A_164 = arith.extui %eq3A_163 : i1 to i32
        %cond3A_165 = arith.constant 0 : i32
        %cond3A_166 = arith.cmpi ne, %convert_element_type3A_164, %cond3A_165 : i32
        scf.if %cond3A_166 {
          %run_scoped3A = arith.constant 0 : i32
          %run_scoped3A_182 = arith.constant 0 : i32
          "tpu.region"() ({
            %run_scoped3A_185 = tpu.sem_alloc : memref<!tpu.dma_semaphore, #tpu.memory_space<semaphore_mem>>
            %dma_start3A = arith.constant 0 : i32
            %dma_start3A_186 = arith.constant 0 : i32
            %dma_start3A_187 = tpu.memref_slice %arg6[%run_scoped3A, %dma_start3A, %dma_start3A_186] : memref<2x200x128xf32, #tpu.memory_space<vmem>> -> memref<1x120x128xf32, #tpu.memory_space<vmem>>
            %dma_start3A_188 = tpu.memref_squeeze %dma_start3A_187 : memref<1x120x128xf32, #tpu.memory_space<vmem>> -> memref<120x128xf32, #tpu.memory_space<vmem>>
            %dma_start3A_189 = arith.constant 0 : i32
            %dma_start3A_190 = tpu.memref_slice %arg7[%run_scoped3A_182, %dma_start3A_189] : memref<2x120xi32, #tpu.memory_space<vmem>> -> memref<1x120xi32, #tpu.memory_space<vmem>>
            %dma_start3A_191 = tpu.memref_squeeze %dma_start3A_190 : memref<1x120xi32, #tpu.memory_space<vmem>> -> memref<120xi32, #tpu.memory_space<vmem>>
            %dma_start3A_192 = arith.constant 0 : i32
            %dma_start3A_193 = arith.constant 0 : i32
            %dma_start3A_194 = tpu.memref_slice %arg9[%dma_start3A_192, %dma_start3A_193] : memref<256x128xf32, #tpu.memory_space<vmem_shared>> -> memref<256x128xf32, #tpu.memory_space<vmem_shared>>
            tpu.enqueue_indirect_dma source(%dma_start3A_188 : memref<120x128xf32, #tpu.memory_space<vmem>>) target(%dma_start3A_194 : memref<256x128xf32, #tpu.memory_space<vmem_shared>>) offsets(%dma_start3A_191 : memref<120xi32, #tpu.memory_space<vmem>>) semaphore(%run_scoped3A_185 : memref<!tpu.dma_semaphore, #tpu.memory_space<semaphore_mem>>) {add = true}
            %dma_wait3A_195 = arith.constant 0 : i32
            %dma_wait3A_196 = arith.constant 0 : i32
            %dma_wait3A_197 = tpu.memref_slice %arg6[%run_scoped3A, %dma_wait3A_195, %dma_wait3A_196] : memref<2x200x128xf32, #tpu.memory_space<vmem>> -> memref<1x120x128xf32, #tpu.memory_space<vmem>>
            %dma_wait3A_198 = tpu.memref_squeeze %dma_wait3A_197 : memref<1x120x128xf32, #tpu.memory_space<vmem>> -> memref<120x128xf32, #tpu.memory_space<vmem>>
            %dma_wait3A_199 = arith.constant 0 : i32
            %dma_wait3A_200 = tpu.memref_slice %arg7[%run_scoped3A_182, %dma_wait3A_199] : memref<2x120xi32, #tpu.memory_space<vmem>> -> memref<1x120xi32, #tpu.memory_space<vmem>>
            %dma_wait3A_201 = tpu.memref_squeeze %dma_wait3A_200 : memref<1x120xi32, #tpu.memory_space<vmem>> -> memref<120xi32, #tpu.memory_space<vmem>>
            %dma_wait3A_202 = arith.constant 0 : i32
            %dma_wait3A_203 = arith.constant 0 : i32
            %dma_wait3A_204 = tpu.memref_slice %arg9[%dma_wait3A_202, %dma_wait3A_203] : memref<256x128xf32, #tpu.memory_space<vmem_shared>> -> memref<256x128xf32, #tpu.memory_space<vmem_shared>>
            tpu.wait_indirect_dma semaphore(%run_scoped3A_185 : memref<!tpu.dma_semaphore, #tpu.memory_space<semaphore_mem>>) src(%dma_wait3A_198 : memref<120x128xf32, #tpu.memory_space<vmem>>) dst(%dma_wait3A_204 : memref<256x128xf32, #tpu.memory_space<vmem_shared>>)
            tpu.yield
          }) : () -> ()
          %run_scoped3A_183 = arith.constant 0 : i32
          %run_scoped3A_184 = arith.constant 0 : i32
          "tpu.region"() ({
            %run_scoped3A_185 = tpu.sem_alloc : memref<!tpu.dma_semaphore, #tpu.memory_space<semaphore_mem>>
            %dma_start3A = arith.constant 120 : i32
            %dma_start3A_186 = arith.constant 0 : i32
            %dma_start3A_187 = tpu.memref_slice %arg6[%run_scoped3A_183, %dma_start3A, %dma_start3A_186] : memref<2x200x128xf32, #tpu.memory_space<vmem>> -> memref<1x80x128xf32, #tpu.memory_space<vmem>>
            %dma_start3A_188 = tpu.memref_squeeze %dma_start3A_187 : memref<1x80x128xf32, #tpu.memory_space<vmem>> -> memref<80x128xf32, #tpu.memory_space<vmem>>
            %dma_start3A_189 = arith.constant 0 : i32
            %dma_start3A_190 = tpu.memref_slice %arg8[%run_scoped3A_184, %dma_start3A_189] : memref<2x80xi32, #tpu.memory_space<vmem>> -> memref<1x80xi32, #tpu.memory_space<vmem>>
            %dma_start3A_191 = tpu.memref_squeeze %dma_start3A_190 : memref<1x80xi32, #tpu.memory_space<vmem>> -> memref<80xi32, #tpu.memory_space<vmem>>
            %dma_start3A_192 = arith.constant 0 : i32
            %dma_start3A_193 = arith.constant 0 : i32
            %dma_start3A_194 = tpu.memref_slice %arg9[%dma_start3A_192, %dma_start3A_193] : memref<256x128xf32, #tpu.memory_space<vmem_shared>> -> memref<256x128xf32, #tpu.memory_space<vmem_shared>>
            tpu.enqueue_indirect_dma source(%dma_start3A_188 : memref<80x128xf32, #tpu.memory_space<vmem>>) target(%dma_start3A_194 : memref<256x128xf32, #tpu.memory_space<vmem_shared>>) offsets(%dma_start3A_191 : memref<80xi32, #tpu.memory_space<vmem>>) semaphore(%run_scoped3A_185 : memref<!tpu.dma_semaphore, #tpu.memory_space<semaphore_mem>>) {add = true}
            %dma_wait3A_195 = arith.constant 120 : i32
            %dma_wait3A_196 = arith.constant 0 : i32
            %dma_wait3A_197 = tpu.memref_slice %arg6[%run_scoped3A_183, %dma_wait3A_195, %dma_wait3A_196] : memref<2x200x128xf32, #tpu.memory_space<vmem>> -> memref<1x80x128xf32, #tpu.memory_space<vmem>>
            %dma_wait3A_198 = tpu.memref_squeeze %dma_wait3A_197 : memref<1x80x128xf32, #tpu.memory_space<vmem>> -> memref<80x128xf32, #tpu.memory_space<vmem>>
            %dma_wait3A_199 = arith.constant 0 : i32
            %dma_wait3A_200 = tpu.memref_slice %arg8[%run_scoped3A_184, %dma_wait3A_199] : memref<2x80xi32, #tpu.memory_space<vmem>> -> memref<1x80xi32, #tpu.memory_space<vmem>>
            %dma_wait3A_201 = tpu.memref_squeeze %dma_wait3A_200 : memref<1x80xi32, #tpu.memory_space<vmem>> -> memref<80xi32, #tpu.memory_space<vmem>>
            %dma_wait3A_202 = arith.constant 0 : i32
            %dma_wait3A_203 = arith.constant 0 : i32
            %dma_wait3A_204 = tpu.memref_slice %arg9[%dma_wait3A_202, %dma_wait3A_203] : memref<256x128xf32, #tpu.memory_space<vmem_shared>> -> memref<256x128xf32, #tpu.memory_space<vmem_shared>>
            tpu.wait_indirect_dma semaphore(%run_scoped3A_185 : memref<!tpu.dma_semaphore, #tpu.memory_space<semaphore_mem>>) src(%dma_wait3A_198 : memref<80x128xf32, #tpu.memory_space<vmem>>) dst(%dma_wait3A_204 : memref<256x128xf32, #tpu.memory_space<vmem_shared>>)
            tpu.yield
          }) : () -> ()
        } else {
        }
        %eq3A_167 = arith.constant 1 : i32
        %eq3A_168 = arith.cmpi eq, %select_n3A_54, %eq3A_167 : i32
        %convert_element_type3A_169 = arith.extui %eq3A_168 : i1 to i32
        %cond3A_170 = arith.constant 0 : i32
        %cond3A_171 = arith.cmpi ne, %convert_element_type3A_169, %cond3A_170 : i32
        scf.if %cond3A_171 {
          %run_scoped3A = arith.constant 0 : i32
          %run_scoped3A_182 = arith.constant 0 : i32
          "tpu.region"() ({
            %run_scoped3A_185 = tpu.sem_alloc : memref<!tpu.dma_semaphore, #tpu.memory_space<semaphore_mem>>
            %dma_start3A = arith.constant 0 : i32
            %dma_start3A_186 = arith.constant 0 : i32
            %dma_start3A_187 = tpu.memref_slice %arg6[%run_scoped3A, %dma_start3A, %dma_start3A_186] : memref<2x200x128xf32, #tpu.memory_space<vmem>> -> memref<1x120x128xf32, #tpu.memory_space<vmem>>
            %dma_start3A_188 = tpu.memref_squeeze %dma_start3A_187 : memref<1x120x128xf32, #tpu.memory_space<vmem>> -> memref<120x128xf32, #tpu.memory_space<vmem>>
            %dma_start3A_189 = arith.constant 0 : i32
            %dma_start3A_190 = tpu.memref_slice %arg7[%run_scoped3A_182, %dma_start3A_189] : memref<2x120xi32, #tpu.memory_space<vmem>> -> memref<1x120xi32, #tpu.memory_space<vmem>>
            %dma_start3A_191 = tpu.memref_squeeze %dma_start3A_190 : memref<1x120xi32, #tpu.memory_space<vmem>> -> memref<120xi32, #tpu.memory_space<vmem>>
            %dma_start3A_192 = arith.constant 0 : i32
            %dma_start3A_193 = arith.constant 0 : i32
            %dma_start3A_194 = tpu.memref_slice %arg10[%dma_start3A_192, %dma_start3A_193] : memref<256x128xf32, #tpu.memory_space<vmem_shared>> -> memref<256x128xf32, #tpu.memory_space<vmem_shared>>
            tpu.enqueue_indirect_dma source(%dma_start3A_188 : memref<120x128xf32, #tpu.memory_space<vmem>>) target(%dma_start3A_194 : memref<256x128xf32, #tpu.memory_space<vmem_shared>>) offsets(%dma_start3A_191 : memref<120xi32, #tpu.memory_space<vmem>>) semaphore(%run_scoped3A_185 : memref<!tpu.dma_semaphore, #tpu.memory_space<semaphore_mem>>) {add = true}
            %dma_wait3A_195 = arith.constant 0 : i32
            %dma_wait3A_196 = arith.constant 0 : i32
            %dma_wait3A_197 = tpu.memref_slice %arg6[%run_scoped3A, %dma_wait3A_195, %dma_wait3A_196] : memref<2x200x128xf32, #tpu.memory_space<vmem>> -> memref<1x120x128xf32, #tpu.memory_space<vmem>>
            %dma_wait3A_198 = tpu.memref_squeeze %dma_wait3A_197 : memref<1x120x128xf32, #tpu.memory_space<vmem>> -> memref<120x128xf32, #tpu.memory_space<vmem>>
            %dma_wait3A_199 = arith.constant 0 : i32
            %dma_wait3A_200 = tpu.memref_slice %arg7[%run_scoped3A_182, %dma_wait3A_199] : memref<2x120xi32, #tpu.memory_space<vmem>> -> memref<1x120xi32, #tpu.memory_space<vmem>>
            %dma_wait3A_201 = tpu.memref_squeeze %dma_wait3A_200 : memref<1x120xi32, #tpu.memory_space<vmem>> -> memref<120xi32, #tpu.memory_space<vmem>>
            %dma_wait3A_202 = arith.constant 0 : i32
            %dma_wait3A_203 = arith.constant 0 : i32
            %dma_wait3A_204 = tpu.memref_slice %arg10[%dma_wait3A_202, %dma_wait3A_203] : memref<256x128xf32, #tpu.memory_space<vmem_shared>> -> memref<256x128xf32, #tpu.memory_space<vmem_shared>>
            tpu.wait_indirect_dma semaphore(%run_scoped3A_185 : memref<!tpu.dma_semaphore, #tpu.memory_space<semaphore_mem>>) src(%dma_wait3A_198 : memref<120x128xf32, #tpu.memory_space<vmem>>) dst(%dma_wait3A_204 : memref<256x128xf32, #tpu.memory_space<vmem_shared>>)
            tpu.yield
          }) : () -> ()
          %run_scoped3A_183 = arith.constant 0 : i32
          %run_scoped3A_184 = arith.constant 0 : i32
          "tpu.region"() ({
            %run_scoped3A_185 = tpu.sem_alloc : memref<!tpu.dma_semaphore, #tpu.memory_space<semaphore_mem>>
            %dma_start3A = arith.constant 120 : i32
            %dma_start3A_186 = arith.constant 0 : i32
            %dma_start3A_187 = tpu.memref_slice %arg6[%run_scoped3A_183, %dma_start3A, %dma_start3A_186] : memref<2x200x128xf32, #tpu.memory_space<vmem>> -> memref<1x80x128xf32, #tpu.memory_space<vmem>>
            %dma_start3A_188 = tpu.memref_squeeze %dma_start3A_187 : memref<1x80x128xf32, #tpu.memory_space<vmem>> -> memref<80x128xf32, #tpu.memory_space<vmem>>
            %dma_start3A_189 = arith.constant 0 : i32
            %dma_start3A_190 = tpu.memref_slice %arg8[%run_scoped3A_184, %dma_start3A_189] : memref<2x80xi32, #tpu.memory_space<vmem>> -> memref<1x80xi32, #tpu.memory_space<vmem>>
            %dma_start3A_191 = tpu.memref_squeeze %dma_start3A_190 : memref<1x80xi32, #tpu.memory_space<vmem>> -> memref<80xi32, #tpu.memory_space<vmem>>
            %dma_start3A_192 = arith.constant 0 : i32
            %dma_start3A_193 = arith.constant 0 : i32
            %dma_start3A_194 = tpu.memref_slice %arg10[%dma_start3A_192, %dma_start3A_193] : memref<256x128xf32, #tpu.memory_space<vmem_shared>> -> memref<256x128xf32, #tpu.memory_space<vmem_shared>>
            tpu.enqueue_indirect_dma source(%dma_start3A_188 : memref<80x128xf32, #tpu.memory_space<vmem>>) target(%dma_start3A_194 : memref<256x128xf32, #tpu.memory_space<vmem_shared>>) offsets(%dma_start3A_191 : memref<80xi32, #tpu.memory_space<vmem>>) semaphore(%run_scoped3A_185 : memref<!tpu.dma_semaphore, #tpu.memory_space<semaphore_mem>>) {add = true}
            %dma_wait3A_195 = arith.constant 120 : i32
            %dma_wait3A_196 = arith.constant 0 : i32
            %dma_wait3A_197 = tpu.memref_slice %arg6[%run_scoped3A_183, %dma_wait3A_195, %dma_wait3A_196] : memref<2x200x128xf32, #tpu.memory_space<vmem>> -> memref<1x80x128xf32, #tpu.memory_space<vmem>>
            %dma_wait3A_198 = tpu.memref_squeeze %dma_wait3A_197 : memref<1x80x128xf32, #tpu.memory_space<vmem>> -> memref<80x128xf32, #tpu.memory_space<vmem>>
            %dma_wait3A_199 = arith.constant 0 : i32
            %dma_wait3A_200 = tpu.memref_slice %arg8[%run_scoped3A_184, %dma_wait3A_199] : memref<2x80xi32, #tpu.memory_space<vmem>> -> memref<1x80xi32, #tpu.memory_space<vmem>>
            %dma_wait3A_201 = tpu.memref_squeeze %dma_wait3A_200 : memref<1x80xi32, #tpu.memory_space<vmem>> -> memref<80xi32, #tpu.memory_space<vmem>>
            %dma_wait3A_202 = arith.constant 0 : i32
            %dma_wait3A_203 = arith.constant 0 : i32
            %dma_wait3A_204 = tpu.memref_slice %arg10[%dma_wait3A_202, %dma_wait3A_203] : memref<256x128xf32, #tpu.memory_space<vmem_shared>> -> memref<256x128xf32, #tpu.memory_space<vmem_shared>>
            tpu.wait_indirect_dma semaphore(%run_scoped3A_185 : memref<!tpu.dma_semaphore, #tpu.memory_space<semaphore_mem>>) src(%dma_wait3A_198 : memref<80x128xf32, #tpu.memory_space<vmem>>) dst(%dma_wait3A_204 : memref<256x128xf32, #tpu.memory_space<vmem_shared>>)
            tpu.yield
          }) : () -> ()
        } else {
        }
        %add3A_172 = arith.constant 2 : i32
        %add3A_173 = arith.addi %add3A_99, %add3A_172 : i32
        %mul3A_174 = arith.constant 8 : i32
        %mul3A_175 = arith.muli %mul3A_174, %add3A_173 : i32
        %add3A_176 = arith.addi %select_n3A_30, %mul3A_175 : i32
        %lt3A_177 = arith.constant 125 : i32
        %lt3A_178 = arith.cmpi slt, %add3A_176, %lt3A_177 : i32
        %convert_element_type3A_179 = arith.extui %lt3A_178 : i1 to i32
        %cond3A_180 = arith.constant 0 : i32
        %cond3A_181 = arith.cmpi ne, %convert_element_type3A_179, %cond3A_180 : i32
        scf.if %cond3A_181 {
          %mul3A_182 = arith.constant 8 : i32
          %mul3A_183 = arith.muli %mul3A_182, %add3A_173 : i32
          %add3A_184 = arith.addi %select_n3A_30, %mul3A_183 : i32
          %mul3A_185 = arith.constant 200 : i32
          %mul3A_186 = arith.muli %add3A_184, %mul3A_185 : i32
          %mul3A_187 = arith.constant 25000 : i32
          %mul3A_188 = arith.muli %add3A, %mul3A_187 : i32
          %add3A_189 = arith.addi %mul3A_188, %mul3A_186 : i32
          %add3A_190 = arith.constant 120 : i32
          %add3A_191 = arith.addi %add3A_189, %add3A_190 : i32
          %dma_start3A = arith.constant 0 : i32
          %dma_start3A_192 = arith.constant 0 : i32
          %dma_start3A_193 = arith.constant 0 : i32
          %dma_start3A_194 = tpu.memref_slice %arg6[%dma_start3A, %dma_start3A_192, %dma_start3A_193] : memref<2x200x128xf32, #tpu.memory_space<vmem>> -> memref<1x200x128xf32, #tpu.memory_space<vmem>>
          %dma_start3A_195 = tpu.memref_squeeze %dma_start3A_194 : memref<1x200x128xf32, #tpu.memory_space<vmem>> -> memref<200x128xf32, #tpu.memory_space<vmem>>
          %dma_start3A_196 = arith.constant 0 : i32
          %dma_start3A_197 = tpu.memref_slice %arg2[%add3A, %mul3A_186, %dma_start3A_196] : memref<4x25000x128xf32, #tpu.memory_space<hbm>> -> memref<1x200x128xf32, #tpu.memory_space<hbm>>
          %dma_start3A_198 = tpu.memref_squeeze %dma_start3A_197 : memref<1x200x128xf32, #tpu.memory_space<hbm>> -> memref<200x128xf32, #tpu.memory_space<hbm>>
          %dma_start3A_199 = arith.constant 0 : i32
          %dma_start3A_200 = arith.constant 0 : i32
          %dma_start3A_201 = tpu.memref_slice %arg6[%dma_start3A, %dma_start3A_199, %dma_start3A_200] : memref<2x200x128xf32, #tpu.memory_space<vmem>> -> memref<1x200x128xf32, #tpu.memory_space<vmem>>
          %dma_start3A_202 = tpu.memref_squeeze %dma_start3A_201 : memref<1x200x128xf32, #tpu.memory_space<vmem>> -> memref<200x128xf32, #tpu.memory_space<vmem>>
          %dma_start3A_203 = arith.constant 0 : i32
          %dma_start3A_204 = tpu.memref_slice %arg2[%add3A, %mul3A_186, %dma_start3A_203] : memref<4x25000x128xf32, #tpu.memory_space<hbm>> -> memref<1x200x128xf32, #tpu.memory_space<hbm>>
          %dma_start3A_205 = tpu.memref_squeeze %dma_start3A_204 : memref<1x200x128xf32, #tpu.memory_space<hbm>> -> memref<200x128xf32, #tpu.memory_space<hbm>>
          tpu.enqueue_dma source(%dma_start3A_205 : memref<200x128xf32, #tpu.memory_space<hbm>>) target(%dma_start3A_202 : memref<200x128xf32, #tpu.memory_space<vmem>>) target_semaphore(%arg11 : memref<!tpu.dma_semaphore, #tpu.memory_space<semaphore_mem>>)
          %dma_start3A_206 = arith.constant 0 : i32
          %dma_start3A_207 = arith.constant 0 : i32
          %dma_start3A_208 = tpu.memref_slice %arg7[%dma_start3A_206, %dma_start3A_207] : memref<2x120xi32, #tpu.memory_space<vmem>> -> memref<1x120xi32, #tpu.memory_space<vmem>>
          %dma_start3A_209 = tpu.memref_squeeze %dma_start3A_208 : memref<1x120xi32, #tpu.memory_space<vmem>> -> memref<120xi32, #tpu.memory_space<vmem>>
          %dma_start3A_210 = tpu.memref_slice %arg3[%add3A_189] : memref<100000xi32, #tpu.memory_space<hbm>> -> memref<120xi32, #tpu.memory_space<hbm>>
          %dma_start3A_211 = arith.constant 0 : i32
          %dma_start3A_212 = tpu.memref_slice %arg7[%dma_start3A_206, %dma_start3A_211] : memref<2x120xi32, #tpu.memory_space<vmem>> -> memref<1x120xi32, #tpu.memory_space<vmem>>
          %dma_start3A_213 = tpu.memref_squeeze %dma_start3A_212 : memref<1x120xi32, #tpu.memory_space<vmem>> -> memref<120xi32, #tpu.memory_space<vmem>>
          %dma_start3A_214 = tpu.memref_slice %arg3[%add3A_189] : memref<100000xi32, #tpu.memory_space<hbm>> -> memref<120xi32, #tpu.memory_space<hbm>>
          tpu.enqueue_dma source(%dma_start3A_214 : memref<120xi32, #tpu.memory_space<hbm>>) target(%dma_start3A_213 : memref<120xi32, #tpu.memory_space<vmem>>) target_semaphore(%arg13 : memref<!tpu.dma_semaphore, #tpu.memory_space<semaphore_mem>>)
          %dma_start3A_215 = arith.constant 0 : i32
          %dma_start3A_216 = arith.constant 0 : i32
          %dma_start3A_217 = tpu.memref_slice %arg8[%dma_start3A_215, %dma_start3A_216] : memref<2x80xi32, #tpu.memory_space<vmem>> -> memref<1x80xi32, #tpu.memory_space<vmem>>
          %dma_start3A_218 = tpu.memref_squeeze %dma_start3A_217 : memref<1x80xi32, #tpu.memory_space<vmem>> -> memref<80xi32, #tpu.memory_space<vmem>>
          %dma_start3A_219 = tpu.memref_slice %arg3[%add3A_191] : memref<100000xi32, #tpu.memory_space<hbm>> -> memref<80xi32, #tpu.memory_space<hbm>>
          %dma_start3A_220 = arith.constant 0 : i32
          %dma_start3A_221 = tpu.memref_slice %arg8[%dma_start3A_215, %dma_start3A_220] : memref<2x80xi32, #tpu.memory_space<vmem>> -> memref<1x80xi32, #tpu.memory_space<vmem>>
          %dma_start3A_222 = tpu.memref_squeeze %dma_start3A_221 : memref<1x80xi32, #tpu.memory_space<vmem>> -> memref<80xi32, #tpu.memory_space<vmem>>
          %dma_start3A_223 = tpu.memref_slice %arg3[%add3A_191] : memref<100000xi32, #tpu.memory_space<hbm>> -> memref<80xi32, #tpu.memory_space<hbm>>
          tpu.enqueue_dma source(%dma_start3A_223 : memref<80xi32, #tpu.memory_space<hbm>>) target(%dma_start3A_222 : memref<80xi32, #tpu.memory_space<vmem>>) target_semaphore(%arg13 : memref<!tpu.dma_semaphore, #tpu.memory_space<semaphore_mem>>)
        } else {
        }
      } else {
      }
      %mul3A_108 = arith.constant 2 : i32
      %mul3A_109 = arith.muli %mul3A_108, %scan3A_95 : i32
      %add3A_110 = arith.constant 1 : i32
      %add3A_111 = arith.addi %mul3A_109, %add3A_110 : i32
      %mul3A_112 = arith.constant 8 : i32
      %mul3A_113 = arith.muli %mul3A_112, %add3A_111 : i32
      %add3A_114 = arith.addi %select_n3A_30, %mul3A_113 : i32
      %lt3A_115 = arith.constant 125 : i32
      %lt3A_116 = arith.cmpi slt, %add3A_114, %lt3A_115 : i32
      %convert_element_type3A_117 = arith.extui %lt3A_116 : i1 to i32
      %cond3A_118 = arith.constant 0 : i32
      %cond3A_119 = arith.cmpi ne, %convert_element_type3A_117, %cond3A_118 : i32
      scf.if %cond3A_119 {
        %mul3A_120 = arith.constant 8 : i32
        %mul3A_121 = arith.muli %mul3A_120, %add3A_111 : i32
        %add3A_122 = arith.addi %select_n3A_30, %mul3A_121 : i32
        %mul3A_123 = arith.constant 200 : i32
        %mul3A_124 = arith.muli %add3A_122, %mul3A_123 : i32
        %mul3A_125 = arith.constant 25000 : i32
        %mul3A_126 = arith.muli %add3A, %mul3A_125 : i32
        %add3A_127 = arith.addi %mul3A_126, %mul3A_124 : i32
        %add3A_128 = arith.constant 120 : i32
        %add3A_129 = arith.addi %add3A_127, %add3A_128 : i32
        %dma_wait3A = arith.constant 1 : i32
        %dma_wait3A_130 = arith.constant 0 : i32
        %dma_wait3A_131 = arith.constant 0 : i32
        %dma_wait3A_132 = tpu.memref_slice %arg6[%dma_wait3A, %dma_wait3A_130, %dma_wait3A_131] : memref<2x200x128xf32, #tpu.memory_space<vmem>> -> memref<1x200x128xf32, #tpu.memory_space<vmem>>
        %dma_wait3A_133 = tpu.memref_squeeze %dma_wait3A_132 : memref<1x200x128xf32, #tpu.memory_space<vmem>> -> memref<200x128xf32, #tpu.memory_space<vmem>>
        %dma_wait3A_134 = arith.constant 0 : i32
        %dma_wait3A_135 = tpu.memref_slice %arg2[%add3A, %mul3A_124, %dma_wait3A_134] : memref<4x25000x128xf32, #tpu.memory_space<hbm>> -> memref<1x200x128xf32, #tpu.memory_space<hbm>>
        %dma_wait3A_136 = tpu.memref_squeeze %dma_wait3A_135 : memref<1x200x128xf32, #tpu.memory_space<hbm>> -> memref<200x128xf32, #tpu.memory_space<hbm>>
        %dma_wait3A_137 = arith.constant 0 : i32
        %dma_wait3A_138 = arith.constant 0 : i32
        %dma_wait3A_139 = tpu.memref_slice %arg6[%dma_wait3A, %dma_wait3A_137, %dma_wait3A_138] : memref<2x200x128xf32, #tpu.memory_space<vmem>> -> memref<1x200x128xf32, #tpu.memory_space<vmem>>
        %dma_wait3A_140 = tpu.memref_squeeze %dma_wait3A_139 : memref<1x200x128xf32, #tpu.memory_space<vmem>> -> memref<200x128xf32, #tpu.memory_space<vmem>>
        %dma_wait3A_141 = arith.constant 0 : i32
        %dma_wait3A_142 = tpu.memref_slice %arg2[%add3A, %mul3A_124, %dma_wait3A_141] : memref<4x25000x128xf32, #tpu.memory_space<hbm>> -> memref<1x200x128xf32, #tpu.memory_space<hbm>>
        %dma_wait3A_143 = tpu.memref_squeeze %dma_wait3A_142 : memref<1x200x128xf32, #tpu.memory_space<hbm>> -> memref<200x128xf32, #tpu.memory_space<hbm>>
        tpu.wait_dma2 semaphore(%arg12 : memref<!tpu.dma_semaphore, #tpu.memory_space<semaphore_mem>>) src(%dma_wait3A_143 : memref<200x128xf32, #tpu.memory_space<hbm>>) dst(%dma_wait3A_140 : memref<200x128xf32, #tpu.memory_space<vmem>>)
        %dma_wait3A_144 = arith.constant 1 : i32
        %dma_wait3A_145 = arith.constant 0 : i32
        %dma_wait3A_146 = tpu.memref_slice %arg7[%dma_wait3A_144, %dma_wait3A_145] : memref<2x120xi32, #tpu.memory_space<vmem>> -> memref<1x120xi32, #tpu.memory_space<vmem>>
        %dma_wait3A_147 = tpu.memref_squeeze %dma_wait3A_146 : memref<1x120xi32, #tpu.memory_space<vmem>> -> memref<120xi32, #tpu.memory_space<vmem>>
        %dma_wait3A_148 = tpu.memref_slice %arg3[%add3A_127] : memref<100000xi32, #tpu.memory_space<hbm>> -> memref<120xi32, #tpu.memory_space<hbm>>
        %dma_wait3A_149 = arith.constant 0 : i32
        %dma_wait3A_150 = tpu.memref_slice %arg7[%dma_wait3A_144, %dma_wait3A_149] : memref<2x120xi32, #tpu.memory_space<vmem>> -> memref<1x120xi32, #tpu.memory_space<vmem>>
        %dma_wait3A_151 = tpu.memref_squeeze %dma_wait3A_150 : memref<1x120xi32, #tpu.memory_space<vmem>> -> memref<120xi32, #tpu.memory_space<vmem>>
        %dma_wait3A_152 = tpu.memref_slice %arg3[%add3A_127] : memref<100000xi32, #tpu.memory_space<hbm>> -> memref<120xi32, #tpu.memory_space<hbm>>
        tpu.wait_dma2 semaphore(%arg14 : memref<!tpu.dma_semaphore, #tpu.memory_space<semaphore_mem>>) src(%dma_wait3A_152 : memref<120xi32, #tpu.memory_space<hbm>>) dst(%dma_wait3A_151 : memref<120xi32, #tpu.memory_space<vmem>>)
        %dma_wait3A_153 = arith.constant 1 : i32
        %dma_wait3A_154 = arith.constant 0 : i32
        %dma_wait3A_155 = tpu.memref_slice %arg8[%dma_wait3A_153, %dma_wait3A_154] : memref<2x80xi32, #tpu.memory_space<vmem>> -> memref<1x80xi32, #tpu.memory_space<vmem>>
        %dma_wait3A_156 = tpu.memref_squeeze %dma_wait3A_155 : memref<1x80xi32, #tpu.memory_space<vmem>> -> memref<80xi32, #tpu.memory_space<vmem>>
        %dma_wait3A_157 = tpu.memref_slice %arg3[%add3A_129] : memref<100000xi32, #tpu.memory_space<hbm>> -> memref<80xi32, #tpu.memory_space<hbm>>
        %dma_wait3A_158 = arith.constant 0 : i32
        %dma_wait3A_159 = tpu.memref_slice %arg8[%dma_wait3A_153, %dma_wait3A_158] : memref<2x80xi32, #tpu.memory_space<vmem>> -> memref<1x80xi32, #tpu.memory_space<vmem>>
        %dma_wait3A_160 = tpu.memref_squeeze %dma_wait3A_159 : memref<1x80xi32, #tpu.memory_space<vmem>> -> memref<80xi32, #tpu.memory_space<vmem>>
        %dma_wait3A_161 = tpu.memref_slice %arg3[%add3A_129] : memref<100000xi32, #tpu.memory_space<hbm>> -> memref<80xi32, #tpu.memory_space<hbm>>
        tpu.wait_dma2 semaphore(%arg14 : memref<!tpu.dma_semaphore, #tpu.memory_space<semaphore_mem>>) src(%dma_wait3A_161 : memref<80xi32, #tpu.memory_space<hbm>>) dst(%dma_wait3A_160 : memref<80xi32, #tpu.memory_space<vmem>>)
        %eq3A_162 = arith.constant 0 : i32
        %eq3A_163 = arith.cmpi eq, %select_n3A_54, %eq3A_162 : i32
        %convert_element_type3A_164 = arith.extui %eq3A_163 : i1 to i32
        %cond3A_165 = arith.constant 0 : i32
        %cond3A_166 = arith.cmpi ne, %convert_element_type3A_164, %cond3A_165 : i32
        scf.if %cond3A_166 {
          %run_scoped3A = arith.constant 1 : i32
          %run_scoped3A_182 = arith.constant 1 : i32
          "tpu.region"() ({
            %run_scoped3A_185 = tpu.sem_alloc : memref<!tpu.dma_semaphore, #tpu.memory_space<semaphore_mem>>
            %dma_start3A = arith.constant 0 : i32
            %dma_start3A_186 = arith.constant 0 : i32
            %dma_start3A_187 = tpu.memref_slice %arg6[%run_scoped3A, %dma_start3A, %dma_start3A_186] : memref<2x200x128xf32, #tpu.memory_space<vmem>> -> memref<1x120x128xf32, #tpu.memory_space<vmem>>
            %dma_start3A_188 = tpu.memref_squeeze %dma_start3A_187 : memref<1x120x128xf32, #tpu.memory_space<vmem>> -> memref<120x128xf32, #tpu.memory_space<vmem>>
            %dma_start3A_189 = arith.constant 0 : i32
            %dma_start3A_190 = tpu.memref_slice %arg7[%run_scoped3A_182, %dma_start3A_189] : memref<2x120xi32, #tpu.memory_space<vmem>> -> memref<1x120xi32, #tpu.memory_space<vmem>>
            %dma_start3A_191 = tpu.memref_squeeze %dma_start3A_190 : memref<1x120xi32, #tpu.memory_space<vmem>> -> memref<120xi32, #tpu.memory_space<vmem>>
            %dma_start3A_192 = arith.constant 0 : i32
            %dma_start3A_193 = arith.constant 0 : i32
            %dma_start3A_194 = tpu.memref_slice %arg9[%dma_start3A_192, %dma_start3A_193] : memref<256x128xf32, #tpu.memory_space<vmem_shared>> -> memref<256x128xf32, #tpu.memory_space<vmem_shared>>
            tpu.enqueue_indirect_dma source(%dma_start3A_188 : memref<120x128xf32, #tpu.memory_space<vmem>>) target(%dma_start3A_194 : memref<256x128xf32, #tpu.memory_space<vmem_shared>>) offsets(%dma_start3A_191 : memref<120xi32, #tpu.memory_space<vmem>>) semaphore(%run_scoped3A_185 : memref<!tpu.dma_semaphore, #tpu.memory_space<semaphore_mem>>) {add = true}
            %dma_wait3A_195 = arith.constant 0 : i32
            %dma_wait3A_196 = arith.constant 0 : i32
            %dma_wait3A_197 = tpu.memref_slice %arg6[%run_scoped3A, %dma_wait3A_195, %dma_wait3A_196] : memref<2x200x128xf32, #tpu.memory_space<vmem>> -> memref<1x120x128xf32, #tpu.memory_space<vmem>>
            %dma_wait3A_198 = tpu.memref_squeeze %dma_wait3A_197 : memref<1x120x128xf32, #tpu.memory_space<vmem>> -> memref<120x128xf32, #tpu.memory_space<vmem>>
            %dma_wait3A_199 = arith.constant 0 : i32
            %dma_wait3A_200 = tpu.memref_slice %arg7[%run_scoped3A_182, %dma_wait3A_199] : memref<2x120xi32, #tpu.memory_space<vmem>> -> memref<1x120xi32, #tpu.memory_space<vmem>>
            %dma_wait3A_201 = tpu.memref_squeeze %dma_wait3A_200 : memref<1x120xi32, #tpu.memory_space<vmem>> -> memref<120xi32, #tpu.memory_space<vmem>>
            %dma_wait3A_202 = arith.constant 0 : i32
            %dma_wait3A_203 = arith.constant 0 : i32
            %dma_wait3A_204 = tpu.memref_slice %arg9[%dma_wait3A_202, %dma_wait3A_203] : memref<256x128xf32, #tpu.memory_space<vmem_shared>> -> memref<256x128xf32, #tpu.memory_space<vmem_shared>>
            tpu.wait_indirect_dma semaphore(%run_scoped3A_185 : memref<!tpu.dma_semaphore, #tpu.memory_space<semaphore_mem>>) src(%dma_wait3A_198 : memref<120x128xf32, #tpu.memory_space<vmem>>) dst(%dma_wait3A_204 : memref<256x128xf32, #tpu.memory_space<vmem_shared>>)
            tpu.yield
          }) : () -> ()
          %run_scoped3A_183 = arith.constant 1 : i32
          %run_scoped3A_184 = arith.constant 1 : i32
          "tpu.region"() ({
            %run_scoped3A_185 = tpu.sem_alloc : memref<!tpu.dma_semaphore, #tpu.memory_space<semaphore_mem>>
            %dma_start3A = arith.constant 120 : i32
            %dma_start3A_186 = arith.constant 0 : i32
            %dma_start3A_187 = tpu.memref_slice %arg6[%run_scoped3A_183, %dma_start3A, %dma_start3A_186] : memref<2x200x128xf32, #tpu.memory_space<vmem>> -> memref<1x80x128xf32, #tpu.memory_space<vmem>>
            %dma_start3A_188 = tpu.memref_squeeze %dma_start3A_187 : memref<1x80x128xf32, #tpu.memory_space<vmem>> -> memref<80x128xf32, #tpu.memory_space<vmem>>
            %dma_start3A_189 = arith.constant 0 : i32
            %dma_start3A_190 = tpu.memref_slice %arg8[%run_scoped3A_184, %dma_start3A_189] : memref<2x80xi32, #tpu.memory_space<vmem>> -> memref<1x80xi32, #tpu.memory_space<vmem>>
            %dma_start3A_191 = tpu.memref_squeeze %dma_start3A_190 : memref<1x80xi32, #tpu.memory_space<vmem>> -> memref<80xi32, #tpu.memory_space<vmem>>
            %dma_start3A_192 = arith.constant 0 : i32
            %dma_start3A_193 = arith.constant 0 : i32
            %dma_start3A_194 = tpu.memref_slice %arg9[%dma_start3A_192, %dma_start3A_193] : memref<256x128xf32, #tpu.memory_space<vmem_shared>> -> memref<256x128xf32, #tpu.memory_space<vmem_shared>>
            tpu.enqueue_indirect_dma source(%dma_start3A_188 : memref<80x128xf32, #tpu.memory_space<vmem>>) target(%dma_start3A_194 : memref<256x128xf32, #tpu.memory_space<vmem_shared>>) offsets(%dma_start3A_191 : memref<80xi32, #tpu.memory_space<vmem>>) semaphore(%run_scoped3A_185 : memref<!tpu.dma_semaphore, #tpu.memory_space<semaphore_mem>>) {add = true}
            %dma_wait3A_195 = arith.constant 120 : i32
            %dma_wait3A_196 = arith.constant 0 : i32
            %dma_wait3A_197 = tpu.memref_slice %arg6[%run_scoped3A_183, %dma_wait3A_195, %dma_wait3A_196] : memref<2x200x128xf32, #tpu.memory_space<vmem>> -> memref<1x80x128xf32, #tpu.memory_space<vmem>>
            %dma_wait3A_198 = tpu.memref_squeeze %dma_wait3A_197 : memref<1x80x128xf32, #tpu.memory_space<vmem>> -> memref<80x128xf32, #tpu.memory_space<vmem>>
            %dma_wait3A_199 = arith.constant 0 : i32
            %dma_wait3A_200 = tpu.memref_slice %arg8[%run_scoped3A_184, %dma_wait3A_199] : memref<2x80xi32, #tpu.memory_space<vmem>> -> memref<1x80xi32, #tpu.memory_space<vmem>>
            %dma_wait3A_201 = tpu.memref_squeeze %dma_wait3A_200 : memref<1x80xi32, #tpu.memory_space<vmem>> -> memref<80xi32, #tpu.memory_space<vmem>>
            %dma_wait3A_202 = arith.constant 0 : i32
            %dma_wait3A_203 = arith.constant 0 : i32
            %dma_wait3A_204 = tpu.memref_slice %arg9[%dma_wait3A_202, %dma_wait3A_203] : memref<256x128xf32, #tpu.memory_space<vmem_shared>> -> memref<256x128xf32, #tpu.memory_space<vmem_shared>>
            tpu.wait_indirect_dma semaphore(%run_scoped3A_185 : memref<!tpu.dma_semaphore, #tpu.memory_space<semaphore_mem>>) src(%dma_wait3A_198 : memref<80x128xf32, #tpu.memory_space<vmem>>) dst(%dma_wait3A_204 : memref<256x128xf32, #tpu.memory_space<vmem_shared>>)
            tpu.yield
          }) : () -> ()
        } else {
        }
        %eq3A_167 = arith.constant 1 : i32
        %eq3A_168 = arith.cmpi eq, %select_n3A_54, %eq3A_167 : i32
        %convert_element_type3A_169 = arith.extui %eq3A_168 : i1 to i32
        %cond3A_170 = arith.constant 0 : i32
        %cond3A_171 = arith.cmpi ne, %convert_element_type3A_169, %cond3A_170 : i32
        scf.if %cond3A_171 {
          %run_scoped3A = arith.constant 1 : i32
          %run_scoped3A_182 = arith.constant 1 : i32
          "tpu.region"() ({
            %run_scoped3A_185 = tpu.sem_alloc : memref<!tpu.dma_semaphore, #tpu.memory_space<semaphore_mem>>
            %dma_start3A = arith.constant 0 : i32
            %dma_start3A_186 = arith.constant 0 : i32
            %dma_start3A_187 = tpu.memref_slice %arg6[%run_scoped3A, %dma_start3A, %dma_start3A_186] : memref<2x200x128xf32, #tpu.memory_space<vmem>> -> memref<1x120x128xf32, #tpu.memory_space<vmem>>
            %dma_start3A_188 = tpu.memref_squeeze %dma_start3A_187 : memref<1x120x128xf32, #tpu.memory_space<vmem>> -> memref<120x128xf32, #tpu.memory_space<vmem>>
            %dma_start3A_189 = arith.constant 0 : i32
            %dma_start3A_190 = tpu.memref_slice %arg7[%run_scoped3A_182, %dma_start3A_189] : memref<2x120xi32, #tpu.memory_space<vmem>> -> memref<1x120xi32, #tpu.memory_space<vmem>>
            %dma_start3A_191 = tpu.memref_squeeze %dma_start3A_190 : memref<1x120xi32, #tpu.memory_space<vmem>> -> memref<120xi32, #tpu.memory_space<vmem>>
            %dma_start3A_192 = arith.constant 0 : i32
            %dma_start3A_193 = arith.constant 0 : i32
            %dma_start3A_194 = tpu.memref_slice %arg10[%dma_start3A_192, %dma_start3A_193] : memref<256x128xf32, #tpu.memory_space<vmem_shared>> -> memref<256x128xf32, #tpu.memory_space<vmem_shared>>
            tpu.enqueue_indirect_dma source(%dma_start3A_188 : memref<120x128xf32, #tpu.memory_space<vmem>>) target(%dma_start3A_194 : memref<256x128xf32, #tpu.memory_space<vmem_shared>>) offsets(%dma_start3A_191 : memref<120xi32, #tpu.memory_space<vmem>>) semaphore(%run_scoped3A_185 : memref<!tpu.dma_semaphore, #tpu.memory_space<semaphore_mem>>) {add = true}
            %dma_wait3A_195 = arith.constant 0 : i32
            %dma_wait3A_196 = arith.constant 0 : i32
            %dma_wait3A_197 = tpu.memref_slice %arg6[%run_scoped3A, %dma_wait3A_195, %dma_wait3A_196] : memref<2x200x128xf32, #tpu.memory_space<vmem>> -> memref<1x120x128xf32, #tpu.memory_space<vmem>>
            %dma_wait3A_198 = tpu.memref_squeeze %dma_wait3A_197 : memref<1x120x128xf32, #tpu.memory_space<vmem>> -> memref<120x128xf32, #tpu.memory_space<vmem>>
            %dma_wait3A_199 = arith.constant 0 : i32
            %dma_wait3A_200 = tpu.memref_slice %arg7[%run_scoped3A_182, %dma_wait3A_199] : memref<2x120xi32, #tpu.memory_space<vmem>> -> memref<1x120xi32, #tpu.memory_space<vmem>>
            %dma_wait3A_201 = tpu.memref_squeeze %dma_wait3A_200 : memref<1x120xi32, #tpu.memory_space<vmem>> -> memref<120xi32, #tpu.memory_space<vmem>>
            %dma_wait3A_202 = arith.constant 0 : i32
            %dma_wait3A_203 = arith.constant 0 : i32
            %dma_wait3A_204 = tpu.memref_slice %arg10[%dma_wait3A_202, %dma_wait3A_203] : memref<256x128xf32, #tpu.memory_space<vmem_shared>> -> memref<256x128xf32, #tpu.memory_space<vmem_shared>>
            tpu.wait_indirect_dma semaphore(%run_scoped3A_185 : memref<!tpu.dma_semaphore, #tpu.memory_space<semaphore_mem>>) src(%dma_wait3A_198 : memref<120x128xf32, #tpu.memory_space<vmem>>) dst(%dma_wait3A_204 : memref<256x128xf32, #tpu.memory_space<vmem_shared>>)
            tpu.yield
          }) : () -> ()
          %run_scoped3A_183 = arith.constant 1 : i32
          %run_scoped3A_184 = arith.constant 1 : i32
          "tpu.region"() ({
            %run_scoped3A_185 = tpu.sem_alloc : memref<!tpu.dma_semaphore, #tpu.memory_space<semaphore_mem>>
            %dma_start3A = arith.constant 120 : i32
            %dma_start3A_186 = arith.constant 0 : i32
            %dma_start3A_187 = tpu.memref_slice %arg6[%run_scoped3A_183, %dma_start3A, %dma_start3A_186] : memref<2x200x128xf32, #tpu.memory_space<vmem>> -> memref<1x80x128xf32, #tpu.memory_space<vmem>>
            %dma_start3A_188 = tpu.memref_squeeze %dma_start3A_187 : memref<1x80x128xf32, #tpu.memory_space<vmem>> -> memref<80x128xf32, #tpu.memory_space<vmem>>
            %dma_start3A_189 = arith.constant 0 : i32
            %dma_start3A_190 = tpu.memref_slice %arg8[%run_scoped3A_184, %dma_start3A_189] : memref<2x80xi32, #tpu.memory_space<vmem>> -> memref<1x80xi32, #tpu.memory_space<vmem>>
            %dma_start3A_191 = tpu.memref_squeeze %dma_start3A_190 : memref<1x80xi32, #tpu.memory_space<vmem>> -> memref<80xi32, #tpu.memory_space<vmem>>
            %dma_start3A_192 = arith.constant 0 : i32
            %dma_start3A_193 = arith.constant 0 : i32
            %dma_start3A_194 = tpu.memref_slice %arg10[%dma_start3A_192, %dma_start3A_193] : memref<256x128xf32, #tpu.memory_space<vmem_shared>> -> memref<256x128xf32, #tpu.memory_space<vmem_shared>>
            tpu.enqueue_indirect_dma source(%dma_start3A_188 : memref<80x128xf32, #tpu.memory_space<vmem>>) target(%dma_start3A_194 : memref<256x128xf32, #tpu.memory_space<vmem_shared>>) offsets(%dma_start3A_191 : memref<80xi32, #tpu.memory_space<vmem>>) semaphore(%run_scoped3A_185 : memref<!tpu.dma_semaphore, #tpu.memory_space<semaphore_mem>>) {add = true}
            %dma_wait3A_195 = arith.constant 120 : i32
            %dma_wait3A_196 = arith.constant 0 : i32
            %dma_wait3A_197 = tpu.memref_slice %arg6[%run_scoped3A_183, %dma_wait3A_195, %dma_wait3A_196] : memref<2x200x128xf32, #tpu.memory_space<vmem>> -> memref<1x80x128xf32, #tpu.memory_space<vmem>>
            %dma_wait3A_198 = tpu.memref_squeeze %dma_wait3A_197 : memref<1x80x128xf32, #tpu.memory_space<vmem>> -> memref<80x128xf32, #tpu.memory_space<vmem>>
            %dma_wait3A_199 = arith.constant 0 : i32
            %dma_wait3A_200 = tpu.memref_slice %arg8[%run_scoped3A_184, %dma_wait3A_199] : memref<2x80xi32, #tpu.memory_space<vmem>> -> memref<1x80xi32, #tpu.memory_space<vmem>>
            %dma_wait3A_201 = tpu.memref_squeeze %dma_wait3A_200 : memref<1x80xi32, #tpu.memory_space<vmem>> -> memref<80xi32, #tpu.memory_space<vmem>>
            %dma_wait3A_202 = arith.constant 0 : i32
            %dma_wait3A_203 = arith.constant 0 : i32
            %dma_wait3A_204 = tpu.memref_slice %arg10[%dma_wait3A_202, %dma_wait3A_203] : memref<256x128xf32, #tpu.memory_space<vmem_shared>> -> memref<256x128xf32, #tpu.memory_space<vmem_shared>>
            tpu.wait_indirect_dma semaphore(%run_scoped3A_185 : memref<!tpu.dma_semaphore, #tpu.memory_space<semaphore_mem>>) src(%dma_wait3A_198 : memref<80x128xf32, #tpu.memory_space<vmem>>) dst(%dma_wait3A_204 : memref<256x128xf32, #tpu.memory_space<vmem_shared>>)
            tpu.yield
          }) : () -> ()
        } else {
        }
        %add3A_172 = arith.constant 2 : i32
        %add3A_173 = arith.addi %add3A_111, %add3A_172 : i32
        %mul3A_174 = arith.constant 8 : i32
        %mul3A_175 = arith.muli %mul3A_174, %add3A_173 : i32
        %add3A_176 = arith.addi %select_n3A_30, %mul3A_175 : i32
        %lt3A_177 = arith.constant 125 : i32
        %lt3A_178 = arith.cmpi slt, %add3A_176, %lt3A_177 : i32
        %convert_element_type3A_179 = arith.extui %lt3A_178 : i1 to i32
        %cond3A_180 = arith.constant 0 : i32
        %cond3A_181 = arith.cmpi ne, %convert_element_type3A_179, %cond3A_180 : i32
        scf.if %cond3A_181 {
          %mul3A_182 = arith.constant 8 : i32
          %mul3A_183 = arith.muli %mul3A_182, %add3A_173 : i32
          %add3A_184 = arith.addi %select_n3A_30, %mul3A_183 : i32
          %mul3A_185 = arith.constant 200 : i32
          %mul3A_186 = arith.muli %add3A_184, %mul3A_185 : i32
          %mul3A_187 = arith.constant 25000 : i32
          %mul3A_188 = arith.muli %add3A, %mul3A_187 : i32
          %add3A_189 = arith.addi %mul3A_188, %mul3A_186 : i32
          %add3A_190 = arith.constant 120 : i32
          %add3A_191 = arith.addi %add3A_189, %add3A_190 : i32
          %dma_start3A = arith.constant 1 : i32
          %dma_start3A_192 = arith.constant 0 : i32
          %dma_start3A_193 = arith.constant 0 : i32
          %dma_start3A_194 = tpu.memref_slice %arg6[%dma_start3A, %dma_start3A_192, %dma_start3A_193] : memref<2x200x128xf32, #tpu.memory_space<vmem>> -> memref<1x200x128xf32, #tpu.memory_space<vmem>>
          %dma_start3A_195 = tpu.memref_squeeze %dma_start3A_194 : memref<1x200x128xf32, #tpu.memory_space<vmem>> -> memref<200x128xf32, #tpu.memory_space<vmem>>
          %dma_start3A_196 = arith.constant 0 : i32
          %dma_start3A_197 = tpu.memref_slice %arg2[%add3A, %mul3A_186, %dma_start3A_196] : memref<4x25000x128xf32, #tpu.memory_space<hbm>> -> memref<1x200x128xf32, #tpu.memory_space<hbm>>
          %dma_start3A_198 = tpu.memref_squeeze %dma_start3A_197 : memref<1x200x128xf32, #tpu.memory_space<hbm>> -> memref<200x128xf32, #tpu.memory_space<hbm>>
          %dma_start3A_199 = arith.constant 0 : i32
          %dma_start3A_200 = arith.constant 0 : i32
          %dma_start3A_201 = tpu.memref_slice %arg6[%dma_start3A, %dma_start3A_199, %dma_start3A_200] : memref<2x200x128xf32, #tpu.memory_space<vmem>> -> memref<1x200x128xf32, #tpu.memory_space<vmem>>
          %dma_start3A_202 = tpu.memref_squeeze %dma_start3A_201 : memref<1x200x128xf32, #tpu.memory_space<vmem>> -> memref<200x128xf32, #tpu.memory_space<vmem>>
          %dma_start3A_203 = arith.constant 0 : i32
          %dma_start3A_204 = tpu.memref_slice %arg2[%add3A, %mul3A_186, %dma_start3A_203] : memref<4x25000x128xf32, #tpu.memory_space<hbm>> -> memref<1x200x128xf32, #tpu.memory_space<hbm>>
          %dma_start3A_205 = tpu.memref_squeeze %dma_start3A_204 : memref<1x200x128xf32, #tpu.memory_space<hbm>> -> memref<200x128xf32, #tpu.memory_space<hbm>>
          tpu.enqueue_dma source(%dma_start3A_205 : memref<200x128xf32, #tpu.memory_space<hbm>>) target(%dma_start3A_202 : memref<200x128xf32, #tpu.memory_space<vmem>>) target_semaphore(%arg12 : memref<!tpu.dma_semaphore, #tpu.memory_space<semaphore_mem>>)
          %dma_start3A_206 = arith.constant 1 : i32
          %dma_start3A_207 = arith.constant 0 : i32
          %dma_start3A_208 = tpu.memref_slice %arg7[%dma_start3A_206, %dma_start3A_207] : memref<2x120xi32, #tpu.memory_space<vmem>> -> memref<1x120xi32, #tpu.memory_space<vmem>>
          %dma_start3A_209 = tpu.memref_squeeze %dma_start3A_208 : memref<1x120xi32, #tpu.memory_space<vmem>> -> memref<120xi32, #tpu.memory_space<vmem>>
          %dma_start3A_210 = tpu.memref_slice %arg3[%add3A_189] : memref<100000xi32, #tpu.memory_space<hbm>> -> memref<120xi32, #tpu.memory_space<hbm>>
          %dma_start3A_211 = arith.constant 0 : i32
          %dma_start3A_212 = tpu.memref_slice %arg7[%dma_start3A_206, %dma_start3A_211] : memref<2x120xi32, #tpu.memory_space<vmem>> -> memref<1x120xi32, #tpu.memory_space<vmem>>
          %dma_start3A_213 = tpu.memref_squeeze %dma_start3A_212 : memref<1x120xi32, #tpu.memory_space<vmem>> -> memref<120xi32, #tpu.memory_space<vmem>>
          %dma_start3A_214 = tpu.memref_slice %arg3[%add3A_189] : memref<100000xi32, #tpu.memory_space<hbm>> -> memref<120xi32, #tpu.memory_space<hbm>>
          tpu.enqueue_dma source(%dma_start3A_214 : memref<120xi32, #tpu.memory_space<hbm>>) target(%dma_start3A_213 : memref<120xi32, #tpu.memory_space<vmem>>) target_semaphore(%arg14 : memref<!tpu.dma_semaphore, #tpu.memory_space<semaphore_mem>>)
          %dma_start3A_215 = arith.constant 1 : i32
          %dma_start3A_216 = arith.constant 0 : i32
          %dma_start3A_217 = tpu.memref_slice %arg8[%dma_start3A_215, %dma_start3A_216] : memref<2x80xi32, #tpu.memory_space<vmem>> -> memref<1x80xi32, #tpu.memory_space<vmem>>
          %dma_start3A_218 = tpu.memref_squeeze %dma_start3A_217 : memref<1x80xi32, #tpu.memory_space<vmem>> -> memref<80xi32, #tpu.memory_space<vmem>>
          %dma_start3A_219 = tpu.memref_slice %arg3[%add3A_191] : memref<100000xi32, #tpu.memory_space<hbm>> -> memref<80xi32, #tpu.memory_space<hbm>>
          %dma_start3A_220 = arith.constant 0 : i32
          %dma_start3A_221 = tpu.memref_slice %arg8[%dma_start3A_215, %dma_start3A_220] : memref<2x80xi32, #tpu.memory_space<vmem>> -> memref<1x80xi32, #tpu.memory_space<vmem>>
          %dma_start3A_222 = tpu.memref_squeeze %dma_start3A_221 : memref<1x80xi32, #tpu.memory_space<vmem>> -> memref<80xi32, #tpu.memory_space<vmem>>
          %dma_start3A_223 = tpu.memref_slice %arg3[%add3A_191] : memref<100000xi32, #tpu.memory_space<hbm>> -> memref<80xi32, #tpu.memory_space<hbm>>
          tpu.enqueue_dma source(%dma_start3A_223 : memref<80xi32, #tpu.memory_space<hbm>>) target(%dma_start3A_222 : memref<80xi32, #tpu.memory_space<vmem>>) target_semaphore(%arg14 : memref<!tpu.dma_semaphore, #tpu.memory_space<semaphore_mem>>)
        } else {
        }
      } else {
      }
    }
    %scan3A_83 = arith.constant 8 : i32
    %barrier3A_84 = arith.constant 0 : index
    tpu.barrier barrier_id(%barrier3A_84)
    %eq3A_85 = arith.constant 0 : i32
    %eq3A_86 = arith.cmpi eq, %select_n3A_54, %eq3A_85 : i32
    %convert_element_type3A_87 = arith.extui %eq3A_86 : i1 to i32
    %cond3A_88 = arith.constant 0 : i32
    %cond3A_89 = arith.cmpi ne, %convert_element_type3A_87, %cond3A_88 : i32
    scf.if %cond3A_89 {
      %mul3A_95 = arith.constant 2 : i32
      %mul3A_96 = arith.muli %mul3A_95, %arg0 : i32
      "tpu.region"() ({
        %run_scoped3A = tpu.sem_alloc : memref<!tpu.dma_semaphore, #tpu.memory_space<semaphore_mem>>
        %dma_start3A = arith.constant 0 : i32
        %dma_start3A_97 = tpu.memref_slice %arg5[%mul3A_96, %mul3A_56, %dma_start3A] : memref<4x256x128xf32, #tpu.memory_space<hbm>> -> memref<1x32x128xf32, #tpu.memory_space<hbm>>
        %dma_start3A_98 = tpu.memref_squeeze %dma_start3A_97 : memref<1x32x128xf32, #tpu.memory_space<hbm>> -> memref<32x128xf32, #tpu.memory_space<hbm>>
        %dma_start3A_99 = arith.constant 0 : i32
        %dma_start3A_100 = tpu.memref_slice %arg9[%mul3A_56, %dma_start3A_99] : memref<256x128xf32, #tpu.memory_space<vmem_shared>> -> memref<32x128xf32, #tpu.memory_space<vmem_shared>>
        tpu.enqueue_dma source(%dma_start3A_100 : memref<32x128xf32, #tpu.memory_space<vmem_shared>>) target(%dma_start3A_98 : memref<32x128xf32, #tpu.memory_space<hbm>>) target_semaphore(%run_scoped3A : memref<!tpu.dma_semaphore, #tpu.memory_space<semaphore_mem>>)
        %dma_wait3A = arith.constant 0 : i32
        %dma_wait3A_101 = tpu.memref_slice %arg5[%mul3A_96, %mul3A_56, %dma_wait3A] : memref<4x256x128xf32, #tpu.memory_space<hbm>> -> memref<1x32x128xf32, #tpu.memory_space<hbm>>
        %dma_wait3A_102 = tpu.memref_squeeze %dma_wait3A_101 : memref<1x32x128xf32, #tpu.memory_space<hbm>> -> memref<32x128xf32, #tpu.memory_space<hbm>>
        %dma_wait3A_103 = arith.constant 0 : i32
        %dma_wait3A_104 = tpu.memref_slice %arg9[%mul3A_56, %dma_wait3A_103] : memref<256x128xf32, #tpu.memory_space<vmem_shared>> -> memref<32x128xf32, #tpu.memory_space<vmem_shared>>
        tpu.wait_dma2 semaphore(%run_scoped3A : memref<!tpu.dma_semaphore, #tpu.memory_space<semaphore_mem>>) src(%dma_wait3A_104 : memref<32x128xf32, #tpu.memory_space<vmem_shared>>) dst(%dma_wait3A_102 : memref<32x128xf32, #tpu.memory_space<hbm>>)
        tpu.yield
      }) : () -> ()
    } else {
    }
    %eq3A_90 = arith.constant 1 : i32
    %eq3A_91 = arith.cmpi eq, %select_n3A_54, %eq3A_90 : i32
    %convert_element_type3A_92 = arith.extui %eq3A_91 : i1 to i32
    %cond3A_93 = arith.constant 0 : i32
    %cond3A_94 = arith.cmpi ne, %convert_element_type3A_92, %cond3A_93 : i32
    scf.if %cond3A_94 {
      %mul3A_95 = arith.constant 2 : i32
      %mul3A_96 = arith.muli %mul3A_95, %arg0 : i32
      %add3A_97 = arith.constant 1 : i32
      %add3A_98 = arith.addi %mul3A_96, %add3A_97 : i32
      "tpu.region"() ({
        %run_scoped3A = tpu.sem_alloc : memref<!tpu.dma_semaphore, #tpu.memory_space<semaphore_mem>>
        %dma_start3A = arith.constant 0 : i32
        %dma_start3A_99 = tpu.memref_slice %arg5[%add3A_98, %mul3A_56, %dma_start3A] : memref<4x256x128xf32, #tpu.memory_space<hbm>> -> memref<1x32x128xf32, #tpu.memory_space<hbm>>
        %dma_start3A_100 = tpu.memref_squeeze %dma_start3A_99 : memref<1x32x128xf32, #tpu.memory_space<hbm>> -> memref<32x128xf32, #tpu.memory_space<hbm>>
        %dma_start3A_101 = arith.constant 0 : i32
        %dma_start3A_102 = tpu.memref_slice %arg10[%mul3A_56, %dma_start3A_101] : memref<256x128xf32, #tpu.memory_space<vmem_shared>> -> memref<32x128xf32, #tpu.memory_space<vmem_shared>>
        tpu.enqueue_dma source(%dma_start3A_102 : memref<32x128xf32, #tpu.memory_space<vmem_shared>>) target(%dma_start3A_100 : memref<32x128xf32, #tpu.memory_space<hbm>>) target_semaphore(%run_scoped3A : memref<!tpu.dma_semaphore, #tpu.memory_space<semaphore_mem>>)
        %dma_wait3A = arith.constant 0 : i32
        %dma_wait3A_103 = tpu.memref_slice %arg5[%add3A_98, %mul3A_56, %dma_wait3A] : memref<4x256x128xf32, #tpu.memory_space<hbm>> -> memref<1x32x128xf32, #tpu.memory_space<hbm>>
        %dma_wait3A_104 = tpu.memref_squeeze %dma_wait3A_103 : memref<1x32x128xf32, #tpu.memory_space<hbm>> -> memref<32x128xf32, #tpu.memory_space<hbm>>
        %dma_wait3A_105 = arith.constant 0 : i32
        %dma_wait3A_106 = tpu.memref_slice %arg10[%mul3A_56, %dma_wait3A_105] : memref<256x128xf32, #tpu.memory_space<vmem_shared>> -> memref<32x128xf32, #tpu.memory_space<vmem_shared>>
        tpu.wait_dma2 semaphore(%run_scoped3A : memref<!tpu.dma_semaphore, #tpu.memory_space<semaphore_mem>>) src(%dma_wait3A_106 : memref<32x128xf32, #tpu.memory_space<vmem_shared>>) dst(%dma_wait3A_104 : memref<32x128xf32, #tpu.memory_space<hbm>>)
        tpu.yield
      }) : () -> ()
    } else {
    }
    return
  }
}

module attributes {stable_mosaic.version = 14 : i64} {
  func.func @head_kernel(%arg0: memref<4x256x128xf32, #tpu.memory_space<vmem>>, %arg1: memref<4x256x128xf32, #tpu.memory_space<vmem>>, %arg2: memref<256x1xf32, #tpu.memory_space<vmem>>, %arg3: memref<1xf32, #tpu.memory_space<smem>>, %arg4: memref<4x256xf32, #tpu.memory_space<vmem>>) attributes {dimension_semantics = [], scalar_prefetch = 0 : i64, scratch_operands = 0 : i64, tpu.core_type = #tpu.core_type<tc>} {
    %get3A = arith.constant 0 : index
    %get3A_0 = arith.constant 0 : index
    %get3A_1 = vector.load %arg2[%get3A, %get3A_0] : memref<256x1xf32, #tpu.memory_space<vmem>>, vector<256x1xf32>
    %slice3A = vector.extract_strided_slice %get3A_1 {offsets = [0, 0], sizes = [128, 1], strides = [1, 1]} : vector<256x1xf32> to vector<128x1xf32>
    %squeeze3A = vector.shape_cast %slice3A : vector<128x1xf32> to vector<128xf32>
    %slice3A_2 = vector.extract_strided_slice %get3A_1 {offsets = [128, 0], sizes = [128, 1], strides = [1, 1]} : vector<256x1xf32> to vector<128x1xf32>
    %squeeze3A_3 = vector.shape_cast %slice3A_2 : vector<128x1xf32> to vector<128xf32>
    %get3A_4 = arith.constant 0 : index
    %get3A_5 = memref.load %arg3[%get3A_4] : memref<1xf32, #tpu.memory_space<smem>>
    %get3A_6 = arith.constant 0 : index
    %get3A_7 = arith.constant 0 : index
    %get3A_8 = arith.constant 0 : index
    %get3A_9 = vector.load %arg0[%get3A_6, %get3A_7, %get3A_8] : memref<4x256x128xf32, #tpu.memory_space<vmem>>, vector<1x256x128xf32>
    %get3A_10 = vector.shape_cast %get3A_9 : vector<1x256x128xf32> to vector<256x128xf32>
    %broadcast_in_dim3A = vector.shape_cast %squeeze3A : vector<128xf32> to vector<1x128xf32>
    %mul3A = vector.broadcast %broadcast_in_dim3A : vector<1x128xf32> to vector<256x128xf32>
    %mul3A_11 = arith.mulf %get3A_10, %mul3A : vector<256x128xf32>
    %reduce_sum3A = arith.constant dense<0.000000e+00> : vector<256xf32>
    %reduce_sum3A_12 = vector.multi_reduction <add>, %mul3A_11, %reduce_sum3A [1] : vector<256x128xf32> to vector<256xf32>
    %get3A_13 = arith.constant 0 : index
    %get3A_14 = arith.constant 0 : index
    %get3A_15 = arith.constant 0 : index
    %get3A_16 = vector.load %arg1[%get3A_13, %get3A_14, %get3A_15] : memref<4x256x128xf32, #tpu.memory_space<vmem>>, vector<1x256x128xf32>
    %get3A_17 = vector.shape_cast %get3A_16 : vector<1x256x128xf32> to vector<256x128xf32>
    %broadcast_in_dim3A_18 = vector.shape_cast %squeeze3A_3 : vector<128xf32> to vector<1x128xf32>
    %mul3A_19 = vector.broadcast %broadcast_in_dim3A_18 : vector<1x128xf32> to vector<256x128xf32>
    %mul3A_20 = arith.mulf %get3A_17, %mul3A_19 : vector<256x128xf32>
    %reduce_sum3A_21 = arith.constant dense<0.000000e+00> : vector<256xf32>
    %reduce_sum3A_22 = vector.multi_reduction <add>, %mul3A_20, %reduce_sum3A_21 [1] : vector<256x128xf32> to vector<256xf32>
    %add3A = arith.addf %reduce_sum3A_12, %reduce_sum3A_22 : vector<256xf32>
    %add3A_23 = vector.broadcast %get3A_5 : f32 to vector<256xf32>
    %add3A_24 = arith.addf %add3A, %add3A_23 : vector<256xf32>
    %swap3A = arith.constant 0 : index
    %swap3A_25 = arith.constant 0 : index
    %swap3A_26 = vector.load %arg4[%swap3A, %swap3A_25] : memref<4x256xf32, #tpu.memory_space<vmem>>, vector<1x256xf32>
    %swap3A_27 = vector.shape_cast %swap3A_26 : vector<1x256xf32> to vector<256xf32>
    %swap3A_28 = vector.shape_cast %add3A_24 : vector<256xf32> to vector<1x256xf32>
    tpu.vector_store %arg4[%swap3A, %swap3A_25], %swap3A_28 {strides = array<i32>} : memref<4x256xf32, #tpu.memory_space<vmem>>, vector<1x256xf32>,
    %get3A_29 = arith.constant 1 : index
    %get3A_30 = arith.constant 0 : index
    %get3A_31 = arith.constant 0 : index
    %get3A_32 = vector.load %arg0[%get3A_29, %get3A_30, %get3A_31] : memref<4x256x128xf32, #tpu.memory_space<vmem>>, vector<1x256x128xf32>
    %get3A_33 = vector.shape_cast %get3A_32 : vector<1x256x128xf32> to vector<256x128xf32>
    %broadcast_in_dim3A_34 = vector.shape_cast %squeeze3A : vector<128xf32> to vector<1x128xf32>
    %mul3A_35 = vector.broadcast %broadcast_in_dim3A_34 : vector<1x128xf32> to vector<256x128xf32>
    %mul3A_36 = arith.mulf %get3A_33, %mul3A_35 : vector<256x128xf32>
    %reduce_sum3A_37 = arith.constant dense<0.000000e+00> : vector<256xf32>
    %reduce_sum3A_38 = vector.multi_reduction <add>, %mul3A_36, %reduce_sum3A_37 [1] : vector<256x128xf32> to vector<256xf32>
    %get3A_39 = arith.constant 1 : index
    %get3A_40 = arith.constant 0 : index
    %get3A_41 = arith.constant 0 : index
    %get3A_42 = vector.load %arg1[%get3A_39, %get3A_40, %get3A_41] : memref<4x256x128xf32, #tpu.memory_space<vmem>>, vector<1x256x128xf32>
    %get3A_43 = vector.shape_cast %get3A_42 : vector<1x256x128xf32> to vector<256x128xf32>
    %broadcast_in_dim3A_44 = vector.shape_cast %squeeze3A_3 : vector<128xf32> to vector<1x128xf32>
    %mul3A_45 = vector.broadcast %broadcast_in_dim3A_44 : vector<1x128xf32> to vector<256x128xf32>
    %mul3A_46 = arith.mulf %get3A_43, %mul3A_45 : vector<256x128xf32>
    %reduce_sum3A_47 = arith.constant dense<0.000000e+00> : vector<256xf32>
    %reduce_sum3A_48 = vector.multi_reduction <add>, %mul3A_46, %reduce_sum3A_47 [1] : vector<256x128xf32> to vector<256xf32>
    %add3A_49 = arith.addf %reduce_sum3A_38, %reduce_sum3A_48 : vector<256xf32>
    %add3A_50 = vector.broadcast %get3A_5 : f32 to vector<256xf32>
    %add3A_51 = arith.addf %add3A_49, %add3A_50 : vector<256xf32>
    %swap3A_52 = arith.constant 1 : index
    %swap3A_53 = arith.constant 0 : index
    %swap3A_54 = vector.load %arg4[%swap3A_52, %swap3A_53] : memref<4x256xf32, #tpu.memory_space<vmem>>, vector<1x256xf32>
    %swap3A_55 = vector.shape_cast %swap3A_54 : vector<1x256xf32> to vector<256xf32>
    %swap3A_56 = vector.shape_cast %add3A_51 : vector<256xf32> to vector<1x256xf32>
    tpu.vector_store %arg4[%swap3A_52, %swap3A_53], %swap3A_56 {strides = array<i32>} : memref<4x256xf32, #tpu.memory_space<vmem>>, vector<1x256xf32>,
    %get3A_57 = arith.constant 2 : index
    %get3A_58 = arith.constant 0 : index
    %get3A_59 = arith.constant 0 : index
    %get3A_60 = vector.load %arg0[%get3A_57, %get3A_58, %get3A_59] : memref<4x256x128xf32, #tpu.memory_space<vmem>>, vector<1x256x128xf32>
    %get3A_61 = vector.shape_cast %get3A_60 : vector<1x256x128xf32> to vector<256x128xf32>
    %broadcast_in_dim3A_62 = vector.shape_cast %squeeze3A : vector<128xf32> to vector<1x128xf32>
    %mul3A_63 = vector.broadcast %broadcast_in_dim3A_62 : vector<1x128xf32> to vector<256x128xf32>
    %mul3A_64 = arith.mulf %get3A_61, %mul3A_63 : vector<256x128xf32>
    %reduce_sum3A_65 = arith.constant dense<0.000000e+00> : vector<256xf32>
    %reduce_sum3A_66 = vector.multi_reduction <add>, %mul3A_64, %reduce_sum3A_65 [1] : vector<256x128xf32> to vector<256xf32>
    %get3A_67 = arith.constant 2 : index
    %get3A_68 = arith.constant 0 : index
    %get3A_69 = arith.constant 0 : index
    %get3A_70 = vector.load %arg1[%get3A_67, %get3A_68, %get3A_69] : memref<4x256x128xf32, #tpu.memory_space<vmem>>, vector<1x256x128xf32>
    %get3A_71 = vector.shape_cast %get3A_70 : vector<1x256x128xf32> to vector<256x128xf32>
    %broadcast_in_dim3A_72 = vector.shape_cast %squeeze3A_3 : vector<128xf32> to vector<1x128xf32>
    %mul3A_73 = vector.broadcast %broadcast_in_dim3A_72 : vector<1x128xf32> to vector<256x128xf32>
    %mul3A_74 = arith.mulf %get3A_71, %mul3A_73 : vector<256x128xf32>
    %reduce_sum3A_75 = arith.constant dense<0.000000e+00> : vector<256xf32>
    %reduce_sum3A_76 = vector.multi_reduction <add>, %mul3A_74, %reduce_sum3A_75 [1] : vector<256x128xf32> to vector<256xf32>
    %add3A_77 = arith.addf %reduce_sum3A_66, %reduce_sum3A_76 : vector<256xf32>
    %add3A_78 = vector.broadcast %get3A_5 : f32 to vector<256xf32>
    %add3A_79 = arith.addf %add3A_77, %add3A_78 : vector<256xf32>
    %swap3A_80 = arith.constant 2 : index
    %swap3A_81 = arith.constant 0 : index
    %swap3A_82 = vector.load %arg4[%swap3A_80, %swap3A_81] : memref<4x256xf32, #tpu.memory_space<vmem>>, vector<1x256xf32>
    %swap3A_83 = vector.shape_cast %swap3A_82 : vector<1x256xf32> to vector<256xf32>
    %swap3A_84 = vector.shape_cast %add3A_79 : vector<256xf32> to vector<1x256xf32>
    tpu.vector_store %arg4[%swap3A_80, %swap3A_81], %swap3A_84 {strides = array<i32>} : memref<4x256xf32, #tpu.memory_space<vmem>>, vector<1x256xf32>,
    %get3A_85 = arith.constant 3 : index
    %get3A_86 = arith.constant 0 : index
    %get3A_87 = arith.constant 0 : index
    %get3A_88 = vector.load %arg0[%get3A_85, %get3A_86, %get3A_87] : memref<4x256x128xf32, #tpu.memory_space<vmem>>, vector<1x256x128xf32>
    %get3A_89 = vector.shape_cast %get3A_88 : vector<1x256x128xf32> to vector<256x128xf32>
    %broadcast_in_dim3A_90 = vector.shape_cast %squeeze3A : vector<128xf32> to vector<1x128xf32>
    %mul3A_91 = vector.broadcast %broadcast_in_dim3A_90 : vector<1x128xf32> to vector<256x128xf32>
    %mul3A_92 = arith.mulf %get3A_89, %mul3A_91 : vector<256x128xf32>
    %reduce_sum3A_93 = arith.constant dense<0.000000e+00> : vector<256xf32>
    %reduce_sum3A_94 = vector.multi_reduction <add>, %mul3A_92, %reduce_sum3A_93 [1] : vector<256x128xf32> to vector<256xf32>
    %get3A_95 = arith.constant 3 : index
    %get3A_96 = arith.constant 0 : index
    %get3A_97 = arith.constant 0 : index
    %get3A_98 = vector.load %arg1[%get3A_95, %get3A_96, %get3A_97] : memref<4x256x128xf32, #tpu.memory_space<vmem>>, vector<1x256x128xf32>
    %get3A_99 = vector.shape_cast %get3A_98 : vector<1x256x128xf32> to vector<256x128xf32>
    %broadcast_in_dim3A_100 = vector.shape_cast %squeeze3A_3 : vector<128xf32> to vector<1x128xf32>
    %mul3A_101 = vector.broadcast %broadcast_in_dim3A_100 : vector<1x128xf32> to vector<256x128xf32>
    %mul3A_102 = arith.mulf %get3A_99, %mul3A_101 : vector<256x128xf32>
    %reduce_sum3A_103 = arith.constant dense<0.000000e+00> : vector<256xf32>
    %reduce_sum3A_104 = vector.multi_reduction <add>, %mul3A_102, %reduce_sum3A_103 [1] : vector<256x128xf32> to vector<256xf32>
    %add3A_105 = arith.addf %reduce_sum3A_94, %reduce_sum3A_104 : vector<256xf32>
    %add3A_106 = vector.broadcast %get3A_5 : f32 to vector<256xf32>
    %add3A_107 = arith.addf %add3A_105, %add3A_106 : vector<256xf32>
    %swap3A_108 = arith.constant 3 : index
    %swap3A_109 = arith.constant 0 : index
    %swap3A_110 = vector.load %arg4[%swap3A_108, %swap3A_109] : memref<4x256xf32, #tpu.memory_space<vmem>>, vector<1x256xf32>
    %swap3A_111 = vector.shape_cast %swap3A_110 : vector<1x256xf32> to vector<256xf32>
    %swap3A_112 = vector.shape_cast %add3A_107 : vector<256xf32> to vector<1x256xf32>
    tpu.vector_store %arg4[%swap3A_108, %swap3A_109], %swap3A_112 {strides = array<i32>} : memref<4x256xf32, #tpu.memory_space<vmem>>, vector<1x256xf32>,
    return
  }
}

</mosaic_0001>

<sc_bundles>
// kernel: kernel.4.cloned.1.call-start
scs
__scs_entry_jumppad:
0x0: {  	(pc) =	sbr.rel $0x88, $3  }
0x1: {  	(tag) =	ssettag $0x0;
	lr =	simm.s32 $0x1  }
0x2: {  	[smem:$0x3F9C] =	sst lr;
	_ =	strace $0xD0000000  }
0x3: {  	_ = 	snop  }
0x4: {  	_ = 	snop  }
0x5: {  	_ = 	snop  }
0x6: {  	_ = 	snop  }
0x7: {  	_ = 	snop  }
__scs_overlays_trampoline_lowered:
0x8: {  	[smem:$0x3FAB] =	sst s0  }
0x9: {  	[smem:$0x3FAC] =	sst s1  }
0xa: {  	[smem:$0x3FAD] =	sst s2  }
0xb: {  	[smem:$0x3FAE] =	sst s3  }
0xc: {  	[smem:$0x3FAF] =	sst s4  }
0xd: {  	[smem:$0x3FB0] =	sst s5  }
0xe: {  	[smem:$0x3FB1] =	sst s6  }
0xf: {  	[smem:$0x3FB2] =	sst s7  }
0x10: {  	[smem:$0x3FB3] =	sst s8  }
0x11: {  	[smem:$0x3FB4] =	sst s9;
	s0 =	simm.s32 @!p0 $0x0  }
0x12: {  	s1 =	sld [smem:$0x3F9A];
	s0 =	simm.s32 @p0 $0x1  }
0x13: {  	[smem:$0x3FB5] =	sst s0;
	s0 =	simm.s32 @!p1 $0x0  }
0x14: {  	s2 =	sld [smem:$0x3F99];
	s0 =	simm.s32 @p1 $0x1  }
0x15: {  	[smem:$0x3FB6] =	sst s0;
	s0 =	simm.s32 @!p2 $0x0  }
0x16: {  	s3 =	sld [smem:$0x3FDB];
	s0 =	simm.s32 @p2 $0x1  }
0x17: {  	s4 =	simm.s32 $0x1BF5;
	[smem:$0x3FB8] =	sst s0  }
0x18: {  	s0 =	sld [smem:$0x3F9B];
	_ =	swait.ge [sflag:s4], $0x0  }
0x19: {  	s7 =	sld [smem:$0x3F9C]  }
0x1a: {  	s8 =	sadd.s32 $0xFFFFE003, lr  }
0x1b: {  	s9 =	sadd.s32 $0xFFFFFEF7, lr;
	s5 =	simm.s32 $0xFFFFFFFF;
	p2 =	slt.u32 s8, $0xFFFFF086  }
0x1c: {  	p1 =	slt.u32 s9, $0xF7A;
	s5 =	simm.s32 @!p2 $0x0  }
0x1d: {  	s5 =	simm.s32 @p1 $0x1;
	p0 =	seq.s32 s7, s2  }
0x1e: {  	s7 =	smul.u32 @!p0 $0xF7A, s2;
	p2 =	seq.s32 @!p0 s5, $0x0  }
0x1f: {  	s9 =	smul.u32 $0xF7A, s1;
	s8 =	simm.s32 @!p0 $0x1BF5;
	p2 =	por !p2, p0  }
0x20: {  	[sflag:s8] =	ssyncset.s32 @!p0 $0xFFFFF086;
	s6 =	sadd.s32 @!p0 s3, s7;
	s7 =	simm.s32 @!p0 $0x108  }
0x21: {  	s3 =	sadd.s32 s3, s9;
	s6 =	sadd.s32 @!p0 $0x88, s6;
	s7 =	simm.s32 @p2 $0x1082  }
0x22: {  	[simem:s7], [sflag:s8] =	dma.local @!p0 [hbm:s6], $0xF7A  }
0x23: {  	s9 =	sor.u32 $0xD0000000, s2;
	s6 =	simm.s32 $0x108;
	_ =	swait.ge @!p0 [sflag:s8], $0x0  }
0x24: {  	s3 =	sadd.s32 $0x88, s3;
	s6 =	simm.s32 @!p1 $0x1082;
	[sflag:s4] =	ssyncset.s32 $0xFFFFF086  }
0x25: {  	[simem:s6], [sflag:s4] =	dma.local [hbm:s3], $0xF7A  }
0x26: {  	[smem:$0x3F9C] =	sst s1;
	(tag) =	ssettag s2;
	_ =	strace s9  }
0x27: {  	s1 =	sld [smem:$0x3FAC]  }
0x28: {  	s2 =	sld [smem:$0x3FAD]  }
0x29: {  	s4 =	sld [smem:$0x3FAF]  }
0x2a: {  	p0 =	seq.s32 s5, $0x0;
	s5 =	sld [smem:$0x3FB0]  }
0x2b: {  	s6 =	sld [smem:$0x3FB1]  }
0x2c: {  	s7 =	sld [smem:$0x3FB2]  }
0x2d: {  	s3 =	simm.s32 $0x108;
	s8 =	sld [smem:$0x3FB3]  }
0x2e: {  	s3 =	simm.s32 @!p0 $0x1082;
	s9 =	sld [smem:$0x3FB4]  }
0x2f: {  	lr =	sadd.s32 s0, s3;
	s0 =	sld [smem:$0x3FAB]  }
0x30: {  	s3 =	sld [smem:$0x3FAE]  }
0x31: {  	[smem:$0x3FB7] =	sst s10  }
0x32: {  	s10 =	sld [smem:$0x3FB5];
	_ =	sdelay $0x3  }
0x33: {  	p0 =	seq.s32 s10, $0x1;
	s10 =	sld [smem:$0x3FB7];
	_ =	sdelay $0x3  }
0x34: {  	[smem:$0x3FB7] =	sst s10  }
0x35: {  	s10 =	sld [smem:$0x3FB6];
	_ =	sdelay $0x3  }
0x36: {  	p1 =	seq.s32 s10, $0x1;
	s10 =	sld [smem:$0x3FB7];
	_ =	sdelay $0x3  }
0x37: {  	[smem:$0x3FB7] =	sst s10  }
0x38: {  	s10 =	sld [smem:$0x3FB8]  }
0x39: {  	_ = 	snop;
	(pc) =	sbr.ind lr, $3  }
0x3a: {  	_ = 	snop  }
0x3b: {  	_ = 	snop  }
0x3c: {  	p2 =	seq.s32 s10, $0x1;
	s10 =	sld [smem:$0x3FB7]  }
0x3d: {  	_ =	shalt  }
0x3e: {  	_ =	shalt  }
0x3f: {  	_ =	shalt  }
0x40: {  	_ =	shalt  }
0x41: {  	_ =	shalt  }
0x42: {  	_ =	shalt  }
0x43: {  	_ =	shalt  }
0x44: {  	_ =	shalt  }
0x45: {  	_ =	shalt  }
0x46: {  	_ =	shalt  }
0x47: {  	_ =	shalt  }
0x48: {  	_ =	shalt  }
0x49: {  	_ =	shalt  }
0x4a: {  	_ =	shalt  }
0x4b: {  	_ =	shalt  }
0x4c: {  	_ =	shalt  }
0x4d: {  	_ =	shalt  }
0x4e: {  	_ =	shalt  }
0x4f: {  	_ =	shalt  }
0x50: {  	_ =	shalt  }
0x51: {  	_ =	shalt  }
0x52: {  	_ =	shalt  }
0x53: {  	_ =	shalt  }
0x54: {  	_ =	shalt  }
0x55: {  	_ =	shalt  }
0x56: {  	_ =	shalt  }
0x57: {  	_ =	shalt  }
0x58: {  	_ =	shalt  }
0x59: {  	_ =	shalt  }
0x5a: {  	_ =	shalt  }
0x5b: {  	_ =	shalt  }
0x5c: {  	_ =	shalt  }
0x5d: {  	_ =	shalt  }
0x5e: {  	_ =	shalt  }
0x5f: {  	_ =	shalt  }
0x60: {  	_ =	shalt  }
0x61: {  	_ =	shalt  }
0x62: {  	_ =	shalt  }
0x63: {  	_ =	shalt  }
0x64: {  	_ =	shalt  }
0x65: {  	_ =	shalt  }
0x66: {  	_ =	shalt  }
0x67: {  	_ =	shalt  }
0x68: {  	_ =	shalt  }
0x69: {  	_ =	shalt  }
0x6a: {  	_ =	shalt  }
0x6b: {  	_ =	shalt  }
0x6c: {  	_ =	shalt  }
0x6d: {  	_ =	shalt  }
0x6e: {  	_ =	shalt  }
0x6f: {  	_ =	shalt  }
0x70: {  	_ =	shalt  }
0x71: {  	_ =	shalt  }
0x72: {  	_ =	shalt  }
0x73: {  	_ =	shalt  }
0x74: {  	_ =	shalt  }
0x75: {  	_ =	shalt  }
0x76: {  	_ =	shalt  }
0x77: {  	_ =	shalt  }
0x78: {  	_ =	shalt  }
0x79: {  	_ =	shalt  }
0x7a: {  	_ =	shalt  }
0x7b: {  	_ =	shalt  }
0x7c: {  	_ =	shalt  }
0x7d: {  	_ =	shalt  }
0x7e: {  	_ =	shalt  }
0x7f: {  	_ =	shalt  }
0x80: {  	_ =	shalt  }
0x81: {  	_ =	shalt  }
0x82: {  	_ =	shalt  }
0x83: {  	_ =	shalt  }
0x84: {  	_ =	shalt  }
0x85: {  	_ =	shalt  }
0x86: {  	_ =	shalt  }
0x87: {  	_ =	shalt  }
.Lfunc_end0:
.L_simem_size_0:
called_computation_lowered:
.L_overlay_start_0:
0x88: {  	s2 =	sld [smem:$0x3FD9]  }
0x89: {  	s3 =	sld [smem:$0x3FFE];
	_ =	sdelay $0x1  }
0x8a: {  	s1 =	srdreg.scid  }
0x8b: {  	s0 =	sand.u32 $0x1, s1  }
0x8c: {  	s17 =	sshll.u32 s0, $0xA;
	s2 =	sadd.s32 s3, s2  }
0x8d: {  	s2 =	sadd.s32 s2, s17  }
0x8e: {  	[smem:$0x3FC3] =	sst s2  }
0x8f: {  	_ = 	snop  }
0x90: {  	s2 =	sld [smem:$0x3FC9];
	(tm) =	ssettm $0x1  }
0x91: {  	s18 =	sld [smem:$0x3FFB];
	_ =	sdelay $0x3  }
0x92: {  	_ =	strace s18  }
0x93: {  	s3 =	sld [smem:$0x3FFC];
	_ =	sdelay $0x3  }
0x94: {  	_ =	strace s3  }
0x95: {  	s3 =	sld [smem:$0x3FFD];
	_ =	sdelay $0x3  }
0x96: {  	_ =	strace s3  }
0x97: {  	_ =	strace $0x8FFFFFFF  }
0x98: {  	s19 =	sld [smem:$0x3FDB];
	_ =	sdelay $0x1  }
0x99: {  	s4 =	simm.s32 $_scs_section_size  }
0x9a: {  	s5 =	simm.s32 $_size__tile_overlayer_lowered;
	s6 =	simm.s32 $_tile_overlayer_lowered  }
0x9b: {  	s22 =	simm.s32 $0x1BFF;
	s21 =	sshll.u32 s6, $0x1;
	s3 =	sadd.s32 s4, s19  }
0x9c: {  	s7 =	simm.s32 $0x0;
	s20 =	sshll.u32 s5, $0x1;
	s5 =	sadd.s32 s21, s3  }
0x9d: {  	[timem:s7], [sflag:s22] =	dma.local [hbm:s5], s20  }
0x9e: {  	_ =	swait.ge [sflag:s22], s20  }
0x9f: {  	s4 =	ssub.s32 $0x0, s20;
	[sflag:s22] =	ssyncset.done $0x0  }
0xa0: {  	[sflag:s22] =	ssyncadd.s32 s4;
	_ =	sdelay $0x1  }
0xa1: {  	s23 =	simm.s32 $0x1B8B  }
0xa2: {  	_ =	swait.ge [sflag:s23], $0x1  }
0xa3: {  	[sflag:s23] =	ssyncset.done $0x0  }
0xa4: {  	s25 =	simm.s32 $0x1B8E;
	s24 =	sld [smem:$0x3FFE];
	[sflag:s23] =	ssyncadd.s32 $0xFFFFFFFF  }
0xa5: {  	s26 =	simm.s32 $execute0_lowered;
	[smem:$0x3FD2] =	sst s25  }
0xa6: {  	s5 =	sshll.u32 s26, $0x1;
	_ =	strace $0x80000046;
	[dreg:$0x1] =	wrdreg $0xFFFFFFFF  }
0xa7: {  	s28 =	simm.s32 $_size_execute0_lowered;
	s3 =	sadd.s32 s3, s5;
	[dreg:$0x0] =	wrdreg $0x0  }
0xa8: {  	s5 =	sshll.u32 s28, $0x1;
	[dreg:$0x2] =	wrdreg s3  }
0xa9: {  	[dreg:$0x3] =	wrdreg s5  }
0xaa: {  	[dreg:$0x4] =	wrdreg $0xC0  }
0xab: {  	_ =	task [dreg:s7], $0x5FFFF  }
0xac: {  	[dreg:$0x1] =	wrdreg $0xFFFFFFFF  }
0xad: {  	[dreg:$0x0] =	wrdreg $0x60  }
0xae: {  	[dreg:$0x2] =	wrdreg s2  }
0xaf: {  	[dreg:$0x3] =	wrdreg s24  }
0xb0: {  	[dreg:$0x4] =	wrdreg $0xCA000  }
0xb1: {  	[dreg:$0x5] =	wrdreg $0xD2000  }
0xb2: {  	[dreg:$0x6] =	wrdreg $0x9  }
0xb3: {  	_ =	task.clear_ibuf [dreg:s7], $0x7FFFF;
	_ =	strace $0x90000046  }
0xb4: {  	s29 =	simm.s32 $0x9;
	_ =	strace $0x80000048  }
0xb5: {  	_ =	swait.ge [sflag:s29], $0x1  }
0xb6: {  	[sflag:s29] =	ssyncadd.s32 $0xFFFFFFFF  }
0xb7: {  	_ =	strace $0x90000048  }
0xb8: {  	_ =	sfence  }
0xb9: {  	s30 =	sld [smem:$0x0];
	_ =	sdelay $0x2  }
0xba: {  	s31 =	sshll.u32 s1, $0xD;
	s1 =	sshrl.u32 s1, $0x2  }
0xbb: {  	s3 =	sand.u32 $0x4000, s31;
	s1 =	sadd.s32 s1, s30  }
0xbc: {  	s0 =	sor.u32 s3, s0;
	s1 =	sshll.u32 s1, $0x11  }
0xbd: {  	s0 =	sor.u32 s1, s0  }
0xbe: {  	s0 =	sadd.s32 $0x8F2B, s0  }
0xbf: {  	[sflag:s0] =	ssyncadd.remote.s32 $0x1  }
0xc0: {  	_ =	sfence.sel $0xFFFF  }
0xc1: {  	[dreg:$0x0] =	wrdreg $0xFFFFFFFF;
	(pc) =	sbr.abs _section_cstart, $3  }
0xc2: {  	[dreg:$0x1] =	wrdreg $0xFFFFFFFF  }
0xc3: {  	_ =	task.clear_ibuf [dreg:s7], $0x2FFFF;
	_ =	strace $0x9FFFFFFF  }
0xc4: {  	(tm) =	ssettm $0x7FFFFFFF  }
0xc5: {  	_ =	shalt  }
tec
execute0_lowered:
.L_overlay_start_1:
0x0: {  	(tag) =	ssettag $0x1  }
0x1: {  	s1 =	rddreg [dreg:$0x0]  }
0x2: {  	s7 =	rddreg [dreg:$0x1]  }
0x3: {  	s8 =	rddreg [dreg:$0x2]  }
0x4: {  	s2 =	rddreg [dreg:$0x3];
	s4 =	simm.s32 $0x0;
	s3 =	stileid.u32  }
0x5: {  	s6 =	srdreg.scid;
	s29 =	simm.s32 $0x1;
	s30 =	simm.s32 $0x3  }
0x6: {  	s31 =	simm.s32 $0x0;
	[smem:$0x7FF] =	sst s4;
	s5 =	sadd.s32 $0xA00, s7  }
0x7: {  	s9 =	sshrl.u32 s3, $0x3;
	s0 =	sand.u32 $0x7, s3;
	s10 =	sand.u32 $0x1, s6  }
0x8: {  	s12 =	sshll.u32 s3, $0x9;
	s14 =	sadd.s32 $0x4C00, s7;
	s25 =	sshll.u32 s3, $0xC  }
0x9: {  	_ =	strace $0x80000047;
	p0 =	seq.s32 s9, $0x0;
	s6 =	sshll.u32 s0, $0x9  }
0xa: {  	s11 =	sshll.u32 s10, $0x1;
	s18 =	smul.u32 $0xC8, s0;
	s13 =	ssub.s32 $0x2, s10  }
0xb: {  	s24 =	sshll.u32 s0, $0xC;
	s19 =	smul.u32 $0x6400, s0;
	s21 =	sshll.u32 s10, $0xD  }
0xc: {  	s0 =	sor.u32 $0x10, s0;
	s6 =	smov.u32 @p0 s12;
	s11 =	sor.u32 s9, s11  }
0xd: {  	s15 =	sshrl.u32 s13, $0x1;
	s23 =	sadd.s32 s24, s2;
	s2 =	smov.u32 @p0 s8  }
0xe: {  	[dreg:$0x6] =	wrdreg s0;
	s17 =	sadd.s32 s6, s7;
	s6 =	smul.u32 $0x61A8, s11  }
0xf: {  	s7 =	smul.u32 $0x30D400, s11;
	s16 =	ssub.s32 s13, s15;
	s15 =	sadd.s32 s25, s8  }
0x10: {  	s22 =	sadd.s32 $0x640, s18;
	s23 =	smov.u32 @p0 s15;
	s15 =	sor.u32 $0x8, s3  }
0x11: {  	s20 =	sadd.s32 s19, s7;
	[dreg:$0xa] =	wrdreg s23;
	s23 =	smul.u32 $0xC350, s10  }
0x12: {  	s26 =	sadd.s32 s18, s6;
	s10 =	smul.u32 $0x61A800, s10;
	s20 =	sshrl.u32 s20, $0x3  }
0x13: {  	s28 =	sadd.s32 $0x78, s26;
	s13 =	sshrl.u32 s26, $0x3;
	s20 =	sadd.s32 s1, s20  }
0x14: {  	s26 =	sshll.u32 s22, $0x7;
	s13 =	sadd.s32 s5, s13;
	[dreg:$0xb] =	wrdreg s20  }
0x15: {  	s24 =	sshrl.u32 s28, $0x3;
	[dreg:$0xc] =	wrdreg s13;
	s20 =	sor.u32 s12, s21  }
0x16: {  	s12 =	sadd.s32 s14, s12;
	s28 =	sadd.s32 s5, s24;
	s13 =	sadd.s32 s7, s26  }
0x17: {  	s25 =	sor.u32 $0x1000, s20;
	[dreg:$0xd] =	wrdreg s28;
	s20 =	sadd.s32 s22, s6  }
0x18: {  	s12 =	sadd.s32 s21, s12;
	s13 =	sshrl.u32 s13, $0x3;
	s11 =	sadd.s32 s14, s25  }
0x19: {  	s22 =	sadd.s32 $0x78, s20;
	s14 =	sshrl.u32 s20, $0x3;
	s25 =	smul.u32 $0x61A8, s9  }
0x1a: {  	s13 =	sadd.s32 s1, s13;
	s20 =	ssub.s32 $0x7D, s15;
	s24 =	sshrl.u32 s22, $0x3  }
0x1b: {  	[dreg:$0xe] =	wrdreg s13;
	s26 =	sadd.s32 s5, s14;
	s14 =	smax.u32 s16, $0x1  }
0x1c: {  	s16 =	sadd.s32 $0x3C00, s17;
	s17 =	sshll.u32 s3, $0x6;
	[dreg:$0x5] =	wrdreg s20  }
0x1d: {  	s22 =	smul.u32 $0x30D400, s9;
	s11 =	smov.u32 @p0 s12;
	[dreg:$0xf] =	wrdreg s26  }
0x1e: {  	s28 =	sadd.s32 s5, s24;
	[dreg:$0x11] =	wrdreg s14;
	s8 =	sadd.s32 s25, s23  }
0x1f: {  	[dreg:$0x12] =	wrdreg s16;
	s25 =	simm.s32 $0x78;
	s26 =	simm.s32 $0x50  }
0x20: {  	[dreg:$0x10] =	wrdreg s28;
	s8 =	sadd.s32 s18, s8;
	s18 =	sor.u32 $0x1C05, s17  }
0x21: {  	s17 =	smov.u32 s11;
	s24 =	sadd.s32 s22, s10;
	[dreg:$0x7] =	wrdreg s25  }
0x22: {  	s22 =	simm.s32 $0x5;
	[dreg:$0x8] =	wrdreg s26;
	s28 =	simm.s32 $0x3C00  }
0x23: {  	s21 =	sadd.s32 $0xCF8, s8;
	s9 =	sadd.s32 $0xC80, s8;
	s8 =	sadd.s32 s19, s24  }
0x24: {  	s24 =	simm.s32 $0xC900;
	[dreg:$0x9] =	wrdreg s28;
	s23 =	sshrl.u32 s21, $0x3  }
0x25: {  	s21 =	sadd.s32 $0x64000, s8;
	s20 =	sadd.s32 s23, s5;
	s23 =	simm.s32 $0xC800  }
.LBB2_1:
0x26: {  	s0 =	rddreg [dreg:$0xa]  }
0x27: {  	s8 =	rddreg [dreg:$0x12];
	s0 =	sshrl.u32 s0, $0x3  }
0x28: {  	[spmem:s0], [sflag:s18] =	dma.local [hbm:s8], $0x200  }
0x29: {  	_ =	swait.ge [sflag:s22], $0x200  }
0x2a: {  	[sflag:s22] =	ssyncset.done $0x0  }
0x2b: {  	[sflag:s22] =	ssyncadd.s32 $0xFFFFFE00  }
0x2c: {  	[bflag:$0x0] =	sbarrier.arrive $0xFFFF  }
0x2d: {  	s16 =	rddreg [dreg:$0xb]  }
0x2e: {  	[tilespmem:s4], [sflag:$0x1] =	stream.linear.gather [hbm4b:s16+s4], $0x6400, $0x38;
	[tilespmem:$0xDA00] =	vst v63  }
0x2f: {  	s19 =	rddreg [dreg:$0xc]  }
0x30: {  	[tilespmem:s23], [sflag:$0x3] =	stream.linear.gather [hbm4b:s19+s4], $0x78, $0x38;
	[tilespmem:$0xDA00] =	vst v63  }
0x31: {  	s25 =	rddreg [dreg:$0xd]  }
0x32: {  	[tilespmem:s24], [sflag:$0x3] =	stream.linear.gather [hbm4b:s25+s4], $0x50, $0x38;
	[tilespmem:$0xDA00] =	vst v63  }
0x33: {  	s10 =	simm.s32 $0x6400;
	s26 =	rddreg [dreg:$0xe]  }
0x34: {  	[tilespmem:s10], [sflag:$0x2] =	stream.linear.gather [hbm4b:s26+s4], $0x6400, $0x38;
	[tilespmem:$0xDA00] =	vst v63  }
0x35: {  	s12 =	simm.s32 $0xC880;
	s11 =	rddreg [dreg:$0xf]  }
0x36: {  	[tilespmem:s12], [sflag:$0x4] =	stream.linear.gather [hbm4b:s11+s4], $0x78, $0x38;
	[tilespmem:$0xDA00] =	vst v63  }
0x37: {  	s14 =	simm.s32 $0xC980;
	s13 =	rddreg [dreg:$0x10]  }
0x38: {  	[tilespmem:s14], [sflag:$0x4] =	stream.linear.gather [hbm4b:s13+s4], $0x50, $0x38;
	[tilespmem:$0xDA00] =	vst v63  }
0x39: {  	_ =	swait.ge [sflag:s29], $0x6400  }
0x3a: {  	[sflag:s29] =	ssyncset.done $0x0  }
0x3b: {  	[sflag:s29] =	ssyncadd.s32 $0xFFFF9C00  }
0x3c: {  	_ =	swait.ge [sflag:s30], $0x78  }
0x3d: {  	[sflag:s30] =	ssyncset.done $0x0  }
0x3e: {  	[sflag:s30] =	ssyncadd.s32 $0xFFFFFF88  }
0x3f: {  	_ =	swait.ge [sflag:s30], $0x50  }
0x40: {  	[sflag:s30] =	ssyncset.done $0x0  }
0x41: {  	s15 =	rddreg [dreg:$0x7];
	[sflag:s30] =	ssyncadd.s32 $0xFFFFFFB0  }
0x42: {  	[spmem:s2] =	stream.indirect.scatter.add.f32 [tilespmem:s4], [sflag:$0x5], $0x80, s23, s15, $0xb8;
	[tilespmem:$0xDA00] =	vst v63  }
0x43: {  	_ =	swait.ge [sflag:s22], $0x3C00  }
0x44: {  	s16 =	rddreg [dreg:$0x8];
	[sflag:s22] =	ssyncset.done $0x0  }
0x45: {  	s19 =	rddreg [dreg:$0x9];
	[sflag:s22] =	ssyncadd.s32 $0xFFFFC400  }
0x46: {  	[spmem:s2] =	stream.indirect.scatter.add.f32 [tilespmem:s19], [sflag:$0x5], $0x80, s24, s16, $0xb8;
	[tilespmem:$0xDA00] =	vst v63  }
0x47: {  	_ =	swait.ge [sflag:s22], $0x2800  }
0x48: {  	s25 =	rddreg [dreg:$0x6]  }
0x49: {  	s8 =	sadd.s32 $0x0, s25  }
0x4a: {  	[sflag:s22] =	ssyncset.done $0x0;
	p1 =	sgt.u32 s8, $0x7C  }
0x4b: {  	s26 =	rddreg [dreg:$0x5];
	[sflag:s22] =	ssyncadd.s32 $0xFFFFD800;
	s10 =	sshrl.u32 @!p1 s21, $0x3  }
0x4c: {  	s12 =	simm.s32 @!p1 $0x0;
	s19 =	sshrl.u32 @!p1 s9, $0x3;
	s10 =	sadd.s32 @!p1 s1, s10  }
0x4d: {  	[tilespmem:s12], [sflag:$0x1] =	stream.linear.gather @!p1 [hbm4b:s10+s12], $0x6400, $0x38;
	[tilespmem:$0xDA00] =	vst v63  }
0x4e: {  	p0 =	sle.u32 s26, $0x0;
	s10 =	sadd.s32 @!p1 s5, s19;
	s19 =	simm.s32 @!p1 $0xC800  }
0x4f: {  	[tilespmem:s19], [sflag:$0x3] =	stream.linear.gather @!p1 [hbm4b:s10+s12], $0x78, $0x38;
	[tilespmem:$0xDA00] =	vst v63  }
0x50: {  	s8 =	simm.s32 @!p1 $0xC900;
	s10 =	simm.s32 @!p0 $0x2  }
0x51: {  	[tilespmem:s8], [sflag:$0x3] =	stream.linear.gather @!p1 [hbm4b:s20+s12], $0x50, $0x38;
	[tilespmem:$0xDA00] =	vst v63  }
0x52: {  	_ =	swait.ge @!p0 [sflag:s10], $0x6400  }
0x53: {  	[sflag:s10] =	ssyncset.done @!p0 $0x0  }
0x54: {  	s8 =	simm.s32 @!p0 $0x4;
	[sflag:s10] =	ssyncadd.s32 @!p0 $0xFFFF9C00  }
0x55: {  	_ =	swait.ge @!p0 [sflag:s8], $0x78  }
0x56: {  	[sflag:s8] =	ssyncset.done @!p0 $0x0  }
0x57: {  	s25 =	simm.s32 @!p0 $0x78;
	[sflag:s8] =	ssyncadd.s32 @!p0 $0xFFFFFF88  }
0x58: {  	s26 =	simm.s32 @!p0 $0xC880;
	s10 =	simm.s32 @!p0 $0x18;
	_ =	swait.ge @!p0 [sflag:s8], $0x50  }
0x59: {  	s12 =	simm.s32 @!p0 $0x6400;
	s10 =	sor.u32 @!p0 s3, s10;
	[sflag:s8] =	ssyncset.done @!p0 $0x0  }
0x5a: {  	p1 =	sgt.u32 @!p0 s10, $0x7C;
	[sflag:s8] =	ssyncadd.s32 @!p0 $0xFFFFFFB0;
	s8 =	simm.s32 @!p0 $0x5  }
0x5b: {  	[spmem:s2] =	stream.indirect.scatter.add.f32 @!p0 [tilespmem:s12], [sflag:$0x5], $0x80, s26, s25, $0xb8;
	[tilespmem:$0xDA00] =	vst v63  }
0x5c: {  	s19 =	simm.s32 @!p0 $0xA000;
	p1 =	por p1, p0;
	_ =	swait.ge @!p0 [sflag:s8], $0x3C00  }
0x5d: {  	s12 =	simm.s32 @!p0 $0xC980;
	s26 =	smul.u32 @!p1 $0x6400, s10;
	[sflag:s8] =	ssyncset.done @!p0 $0x0  }
0x5e: {  	s25 =	simm.s32 @!p0 $0x50;
	s10 =	smul.u32 @!p1 $0xC8, s10;
	[sflag:s8] =	ssyncadd.s32 @!p0 $0xFFFFC400  }
0x5f: {  	[spmem:s2] =	stream.indirect.scatter.add.f32 @!p0 [tilespmem:s19], [sflag:$0x5], $0x80, s12, s25, $0xb8;
	[tilespmem:$0xDA00] =	vst v63  }
0x60: {  	s28 =	simm.s32 @!p1 $0x6400;
	s10 =	sadd.s32 @!p1 s6, s10;
	s12 =	simm.s32 @!p1 $0x0  }
0x61: {  	s19 =	sadd.s32 @!p1 s7, s26;
	s25 =	sshrl.u32 @!p1 s10, $0x3;
	_ =	swait.ge @!p0 [sflag:s8], $0x2800  }
0x62: {  	s26 =	sadd.s32 $0x190, s20;
	s19 =	sshrl.u32 @!p1 s19, $0x3;
	[sflag:s8] =	ssyncset.done @!p0 $0x0  }
0x63: {  	s10 =	sadd.s32 @!p1 $0x78, s10;
	[sflag:s8] =	ssyncadd.s32 @!p0 $0xFFFFD800;
	s8 =	sadd.s32 @!p1 s1, s19  }
0x64: {  	[tilespmem:s28], [sflag:$0x2] =	stream.linear.gather @!p1 [hbm4b:s8+s12], $0x6400, $0x38;
	[tilespmem:$0xDA00] =	vst v63  }
0x65: {  	s19 =	simm.s32 @!p1 $0xC880;
	s8 =	sadd.s32 @!p1 s5, s25;
	s25 =	simm.s32 $0x10  }
0x66: {  	[tilespmem:s19], [sflag:$0x4] =	stream.linear.gather @!p1 [hbm4b:s8+s12], $0x78, $0x38;
	[tilespmem:$0xDA00] =	vst v63  }
0x67: {  	s28 =	sadd.s32 $0x64000, s21;
	s8 =	simm.s32 @!p1 $0xC980;
	s19 =	smov.u32 s9  }
.LBB2_2:
0x68: {  	s13 =	sshrl.u32 @!p1 s10, $0x3  }
0x69: {  	s13 =	sadd.s32 @!p1 s5, s13  }
0x6a: {  	[tilespmem:s8], [sflag:$0x4] =	stream.linear.gather @!p1 [hbm4b:s13+s12], $0x50, $0x38;
	[tilespmem:$0xDA00] =	vst v63  }
0x6b: {  	_ =	swait.ge [sflag:s29], $0x6400  }
0x6c: {  	[sflag:s29] =	ssyncset.done $0x0  }
0x6d: {  	[sflag:s29] =	ssyncadd.s32 $0xFFFF9C00  }
0x6e: {  	_ =	swait.ge [sflag:s30], $0x78  }
0x6f: {  	[sflag:s30] =	ssyncset.done $0x0  }
0x70: {  	[sflag:s30] =	ssyncadd.s32 $0xFFFFFF88  }
0x71: {  	_ =	swait.ge [sflag:s30], $0x50  }
0x72: {  	[sflag:s30] =	ssyncset.done $0x0  }
0x73: {  	s12 =	rddreg [dreg:$0x7];
	[sflag:s30] =	ssyncadd.s32 $0xFFFFFFB0  }
0x74: {  	[spmem:s2] =	stream.indirect.scatter.add.f32 [tilespmem:s4], [sflag:$0x5], $0x80, s23, s12, $0xb8;
	[tilespmem:$0xDA00] =	vst v63  }
0x75: {  	_ =	swait.ge [sflag:s22], $0x3C00  }
0x76: {  	s13 =	rddreg [dreg:$0x8];
	[sflag:s22] =	ssyncset.done $0x0  }
0x77: {  	s14 =	rddreg [dreg:$0x9];
	[sflag:s22] =	ssyncadd.s32 $0xFFFFC400  }
0x78: {  	[spmem:s2] =	stream.indirect.scatter.add.f32 [tilespmem:s14], [sflag:$0x5], $0x80, s24, s13, $0xb8;
	[tilespmem:$0xDA00] =	vst v63  }
0x79: {  	_ =	swait.ge [sflag:s22], $0x2800  }
0x7a: {  	s10 =	smov.u32 s25;
	s15 =	rddreg [dreg:$0x6]  }
0x7b: {  	s8 =	sadd.s32 s10, s15  }
0x7c: {  	s19 =	sadd.s32 $0xC80, s19;
	[sflag:s22] =	ssyncset.done $0x0;
	p1 =	sgt.u32 s8, $0x7C  }
0x7d: {  	s16 =	rddreg [dreg:$0x5];
	[sflag:s22] =	ssyncadd.s32 $0xFFFFD800;
	s12 =	sshrl.u32 @!p1 s28, $0x3  }
0x7e: {  	s13 =	simm.s32 @!p1 $0x0;
	s14 =	sshrl.u32 @!p1 s19, $0x3;
	s12 =	sadd.s32 @!p1 s1, s12  }
0x7f: {  	[tilespmem:s13], [sflag:$0x1] =	stream.linear.gather @!p1 [hbm4b:s12+s13], $0x6400, $0x38;
	[tilespmem:$0xDA00] =	vst v63  }
0x80: {  	p2 =	sge.u32 s10, s16;
	s14 =	sadd.s32 @!p1 s5, s14;
	s12 =	simm.s32 @!p1 $0xC800  }
0x81: {  	[tilespmem:s12], [sflag:$0x3] =	stream.linear.gather @!p1 [hbm4b:s14+s13], $0x78, $0x38;
	[tilespmem:$0xDA00] =	vst v63  }
0x82: {  	s8 =	simm.s32 @!p2 $0x2;
	s15 =	simm.s32 @!p1 $0xC900  }
0x83: {  	[tilespmem:s15], [sflag:$0x3] =	stream.linear.gather @!p1 [hbm4b:s26+s13], $0x50, $0x38;
	[tilespmem:$0xDA00] =	vst v63  }
0x84: {  	_ =	swait.ge @!p2 [sflag:s8], $0x6400  }
0x85: {  	[sflag:s8] =	ssyncset.done @!p2 $0x0  }
0x86: {  	s12 =	simm.s32 @!p2 $0x4;
	[sflag:s8] =	ssyncadd.s32 @!p2 $0xFFFF9C00  }
0x87: {  	s25 =	sadd.s32 $0x10, s25;
	_ =	swait.ge @!p2 [sflag:s12], $0x78  }
0x88: {  	p0 =	sne.s32 s25, $0x80;
	s10 =	sadd.s32 @!p2 $0x18, s10;
	[sflag:s12] =	ssyncset.done @!p2 $0x0  }
0x89: {  	s16 =	simm.s32 @!p2 $0x5;
	s11 =	simm.s32 @!p2 $0xC980;
	[sflag:s12] =	ssyncadd.s32 @!p2 $0xFFFFFF88  }
0x8a: {  	s10 =	sor.u32 @!p2 s3, s10;
	s28 =	sadd.s32 $0x64000, s28;
	_ =	swait.ge @!p2 [sflag:s12], $0x50  }
0x8b: {  	s14 =	simm.s32 @!p2 $0x78;
	p1 =	sgt.u32 @!p2 s10, $0x7C;
	[sflag:s12] =	ssyncset.done @!p2 $0x0  }
0x8c: {  	s15 =	simm.s32 @!p2 $0xC880;
	s8 =	simm.s32 @!p2 $0x6400;
	[sflag:s12] =	ssyncadd.s32 @!p2 $0xFFFFFFB0  }
0x8d: {  	[spmem:s2] =	stream.indirect.scatter.add.f32 @!p2 [tilespmem:s8], [sflag:$0x5], $0x80, s15, s14, $0xb8;
	[tilespmem:$0xDA00] =	vst v63  }
0x8e: {  	s26 =	sadd.s32 $0x190, s26;
	p1 =	por p1, p2;
	_ =	swait.ge @!p2 [sflag:s16], $0x3C00  }
0x8f: {  	s13 =	simm.s32 @!p2 $0xA000;
	s14 =	smul.u32 @!p1 $0x6400, s10;
	[sflag:s16] =	ssyncset.done @!p2 $0x0  }
0x90: {  	s8 =	simm.s32 @!p2 $0x50;
	s10 =	smul.u32 @!p1 $0xC8, s10;
	[sflag:s16] =	ssyncadd.s32 @!p2 $0xFFFFC400  }
0x91: {  	[spmem:s2] =	stream.indirect.scatter.add.f32 @!p2 [tilespmem:s13], [sflag:$0x5], $0x80, s11, s8, $0xb8;
	[tilespmem:$0xDA00] =	vst v63  }
0x92: {  	s12 =	simm.s32 @!p1 $0x0;
	s15 =	simm.s32 @!p1 $0x6400;
	s8 =	sadd.s32 @!p1 s6, s10  }
0x93: {  	s10 =	sadd.s32 @!p1 s7, s14;
	s13 =	simm.s32 @!p1 $0xC880;
	_ =	swait.ge @!p2 [sflag:s16], $0x2800  }
.Ltmp0:
0x94: {  	s10 =	sshrl.u32 @!p1 s10, $0x3;
	[sflag:s16] =	ssyncset.done @!p2 $0x0;
	(pc) =	sbr.rel @p0 .LBB2_2-.Ltmp0, $4  }
0x95: {  	s11 =	sshrl.u32 @!p1 s8, $0x3;
	s10 =	sadd.s32 @!p1 s1, s10;
	[sflag:s16] =	ssyncadd.s32 @!p2 $0xFFFFD800  }
0x96: {  	[tilespmem:s15], [sflag:$0x2] =	stream.linear.gather @!p1 [hbm4b:s10+s12], $0x6400, $0x38;
	[tilespmem:$0xDA00] =	vst v63  }
0x97: {  	s11 =	sadd.s32 @!p1 s5, s11;
	s10 =	sadd.s32 @!p1 $0x78, s8;
	s8 =	simm.s32 @!p1 $0xC980  }
0x98: {  	[tilespmem:s13], [sflag:$0x4] =	stream.linear.gather @!p1 [hbm4b:s11+s12], $0x78, $0x38;
	[tilespmem:$0xDA00] =	vst v63  }
0x99: {  	s10 =	sshrl.u32 @!p1 s10, $0x3  }
0x9a: {  	s10 =	sadd.s32 @!p1 s5, s10  }
0x9b: {  	[tilespmem:s8], [sflag:$0x4] =	stream.linear.gather @!p1 [hbm4b:s10+s12], $0x50, $0x38;
	[tilespmem:$0xDA00] =	vst v63  }
0x9c: {  	[bflag:$0x0] =	sbarrier.arrive $0xFFFF  }
0x9d: {  	[hbm:s17], [sflag:s18] =	dma.local [spmem:s0], $0x200  }
0x9e: {  	_ =	swait.ge [sflag:s22], $0x200  }
0x9f: {  	s31 =	sadd.s32 $0x1, s31;
	s28 =	rddreg [dreg:$0x11]  }
0xa0: {  	p0 =	sne.s32 s31, s28  }
.Ltmp1:
0xa1: {  	_ = 	snop;
	(pc) =	sbr.rel @p0 .LBB2_1-.Ltmp1, $3  }
0xa2: {  	_ =	sdelay $0x1  }
0xa3: {  	[sflag:s22] =	ssyncset.done $0x0  }
0xa4: {  	[sflag:s22] =	ssyncadd.s32 $0xFFFFFE00  }
0xa5: {  	_ =	sfence.sel $0x180000  }
0xa6: {  	[bflag:$0x0] =	sbarrier.arrive $0xFFFF  }
0xa7: {  	_ =	strace $0x90000047  }
0xa8: {  	[bflag:$0x2] =	sbarrier.arrive $0xFFFF  }
0xa9: {  	p0 =	sne.s32 s3, $0x0;
	s0 =	rddreg [dreg:$0x4]  }
0xaa: {  	s0 =	sadd.s32 @!p0 $0x100000, s0  }
0xab: {  	[sflag:s0] =	ssyncadd.tile.s32 @!p0 $0x1;
	_ =	shalt  }
.Lfunc_end2:
_tile_overlayer_lowered:
.L_overlay_start_2:
0xac: {  	(tag) =	ssettag $0x2  }
0xad: {  	s0 =	rddreg [dreg:$0x0];
	s2 =	stileid.u32  }
0xae: {  	s1 =	rddreg [dreg:$0x1];
	p0 =	sne.s32 s2, $0x0  }
0xaf: {  	s3 =	rddreg [dreg:$0x2];
	[bflag:$0x3] =	sbarrier.arrive $0xFFFF;
	s2 =	simm.s32 @!p0 $0x1C05  }
0xb0: {  	[timem:s3], [sflag:s2] =	dma.local @!p0 [hbm:s0], s1  }
0xb1: {  	s0 =	simm.s32 @!p0 $0x5  }
0xb2: {  	_ =	swait.ge @!p0 [sflag:s0], s1  }
0xb3: {  	s1 =	ssub.s32 @!p0 $0x0, s1;
	[sflag:s0] =	ssyncset.done @!p0 $0x0  }
0xb4: {  	[sflag:s0] =	ssyncadd.s32 @!p0 s1  }
0xb5: {  	[bflag:$0x3] =	sbarrier.arrive $0xFFFF  }
0xb6: {  	_ =	shalt  }

</sc_bundles>
